<compile_context>
chip_gen: v7x
topology: tpu7x:2x2x1
jax: 0.10.2.dev20260603
libtpu: 0.0.44.dev20260713+nightly
codegen_flags: <defaults>
</compile_context>

<pallas_src>
import functools

import jax
import jax.numpy as jnp
from jax.experimental import pallas as pl
from jax.experimental.pallas import tpu as pltpu
from jax.experimental.pallas import tpu_sc as plsc

_B = 512
_F = 16
_W = 16
_S = 640


def _repack(x):
    E = x.shape[0]
    nch = E // _S
    mesh = plsc.VectorSubcoreMesh(core_axis_name="c", subcore_axis_name="s")

    @functools.partial(
        pl.kernel, mesh=mesh,
        out_type=jax.ShapeDtypeStruct((E // 8, 128), jnp.float32),
        scratch_types=[pltpu.VMEM((_S, _F), jnp.float32),
                       pltpu.VMEM((_S // 8, 128), jnp.float32)],
    )
    def k(x_hbm, out_hbm, buf, buf128):
        c = jax.lax.axis_index("c")
        s = jax.lax.axis_index("s")
        wid = s * 2 + c
        n_mine = (nch - wid + 31) // 32

        def body(j, carry):
            t = wid + j * 32
            base = pl.multiple_of(t * _S, _S)
            obase = pl.multiple_of(t * (_S // 8), _S // 8)
            pltpu.sync_copy(x_hbm.at[pl.ds(base, _S)], buf)

            def row(r, c2):
                for c8 in range(8):
                    buf128[r, pl.ds(c8 * _F, _F)] = buf[r * 8 + c8, :]
                return c2

            jax.lax.fori_loop(0, _S // 8, row, 0, unroll=4)
            pltpu.sync_copy(buf128, out_hbm.at[pl.ds(obase, _S // 8)])
            return carry

        jax.lax.fori_loop(0, n_mine, body, 0)

    return k(x)


def _pool_body(starts_ref, ends_ref, seg_ref, xp_ref, w1_ref, b1_ref,
               w2rep_ref, b2_ref, out_ref, acc_ref):
    i = pl.program_id(0)

    @pl.when(i == 0)
    def _init():
        acc_ref[...] = jnp.zeros_like(acc_ref)

    xp = xp_ref[...]
    x = jnp.concatenate(
        [xp[:, _F * c:_F * (c + 1)] for c in range(8)], axis=0)
    h = jnp.tanh(
        jnp.dot(x, w1_ref[...], preferred_element_type=jnp.float32)
        + b1_ref[...])
    s = (jnp.dot(h, w2rep_ref[...], preferred_element_type=jnp.float32)
         + b2_ref[...])
    ex = jnp.exp(s)
    y = x * ex

    seg = seg_ref[0, 0, :]
    lo = starts_ref[i]
    lo_al = (lo // 8) * 8
    hi = ends_ref[i]
    nwin = (hi - lo_al) // _W + 1

    def _win(j):
        base = lo_al + j * _W
        ids = jax.lax.broadcasted_iota(jnp.int32, (_W, 1), 0) + base
        oh = (ids == seg[None, :]).astype(jnp.float32)
        num = jnp.dot(oh, y, preferred_element_type=jnp.float32)
        den = jnp.dot(oh, ex, preferred_element_type=jnp.float32)
        cur_n = acc_ref[pl.ds(base, _W), :_F]
        acc_ref[pl.ds(base, _W), :_F] = cur_n + num
        cur_d = acc_ref[pl.ds(base, _W), _F:]
        acc_ref[pl.ds(base, _W), _F:] = cur_d + den

    _win(0)

    @pl.when(nwin > 1)
    def _rest():
        jax.lax.fori_loop(1, nwin, lambda j, c: (_win(j), c)[1], 0)

    @pl.when(i == pl.num_programs(0) - 1)
    def _fin():
        acc = acc_ref[:_B, :]
        den = acc[:, _F:_F + 1]
        den = jnp.where(den == 0.0, 1.0, den)
        out_ref[...] = acc[:, :_F] / den


def kernel(edge_attr, batch_e, W1, b1, W2, b2):
    E, F = edge_attr.shape
    H = W1.shape[1]
    K = 8000 if E % 8000 == 0 else 8
    Kp = K // 8
    nblk = E // K

    xp = _repack(edge_attr.astype(jnp.float32))

    seg = batch_e.astype(jnp.int32)
    seg3 = seg.reshape(nblk, Kp, 8).transpose(0, 2, 1).reshape(nblk, 1, K)
    starts = seg[::K]
    ends = seg[K - 1::K]
    b1r = b1.reshape(1, H).astype(jnp.float32)
    w2rep = jnp.tile(W2.astype(jnp.float32), (1, _F))
    b2r = b2.reshape(1, 1).astype(jnp.float32)

    grid_spec = pltpu.PrefetchScalarGridSpec(
        num_scalar_prefetch=2,
        grid=(nblk,),
        in_specs=[
            pl.BlockSpec((1, 1, K), lambda i, *_: (i, 0, 0)),
            pl.BlockSpec((Kp, 128), lambda i, *_: (i, 0)),
            pl.BlockSpec((F, H), lambda i, *_: (0, 0)),
            pl.BlockSpec((1, H), lambda i, *_: (0, 0)),
            pl.BlockSpec((H, _F), lambda i, *_: (0, 0)),
            pl.BlockSpec((1, 1), lambda i, *_: (0, 0)),
        ],
        out_specs=pl.BlockSpec((_B, _F), lambda i, *_: (0, 0)),
        scratch_shapes=[pltpu.VMEM((_B + _W, 2 * _F), jnp.float32)],
    )
    return pl.pallas_call(
        _pool_body,
        grid_spec=grid_spec,
        out_shape=jax.ShapeDtypeStruct((_B, _F), jnp.float32),
        compiler_params=pltpu.CompilerParams(
            dimension_semantics=("arbitrary",)),
    )(starts, ends, seg3, xp, W1.astype(jnp.float32), b1r, w2rep, b2r)

# --- scband reference (transcript-rebuilt; emitter-appended) ---
"""Pipeline reference for scband-multi-type-edge-pooling-18769007083607 (READ-ONLY COPY).

The authoritative reference and input builder live on the scoring server;
editing this copy changes nothing except your own understanding.
"""

import jax, jax.numpy as jnp
import numpy as np

E = 3200000
F = 16
H = 64
B = 512

def setup_inputs(seed: int = 0) -> dict:
    key = jax.random.key(seed)
    k1, k2, k3, k4, k5, k6 = jax.random.split(key, 6)
    edge_attr = jax.random.normal(k1, (E, F), dtype=jnp.float32)
    batch_e = jnp.sort(jax.random.randint(k2, (E,), 0, B, dtype=jnp.int64))
    # MLP params for the single edge type: Linear(F->H), Tanh, Linear(H->1)
    W1 = jax.random.normal(k3, (F, H), dtype=jnp.float32) * (1.0 / np.sqrt(F))
    b1 = jnp.zeros((H,), dtype=jnp.float32)
    W2 = jax.random.normal(k4, (H, 1), dtype=jnp.float32) * (1.0 / np.sqrt(H))
    b2 = jnp.zeros((1,), dtype=jnp.float32)
    return {"edge_attr": edge_attr, "batch_e": batch_e, "W1": W1, "b1": b1, "W2": W2, "b2": b2}

def reference(edge_attr, batch_e, W1, b1, W2, b2):
    # Per-edge score via MLP: Linear -> Tanh -> Linear -> squeeze
    score = jnp.tanh(edge_attr @ W1 + b1) @ W2 + b2  # [E, 1]
    score = jnp.squeeze(score, axis=-1)              # [E]
    # Per-graph (segment) softmax over edge scores
    seg_max = jax.ops.segment_max(score, batch_e, num_segments=B)   # [B]
    shifted = score - seg_max[batch_e]
    ex = jnp.exp(shifted)                                           # [E]
    denom = jax.ops.segment_sum(ex, batch_e, num_segments=B)        # [B]
    attn = ex / denom[batch_e]                                      # [E]
    # dropout p=0.0 -> identity (eval semantics)
    messages = attn[:, None] * edge_attr                            # [E, F]
    # Scatter-add pooled per graph; single edge type so the final mean over
    # edge types is the identity.
    pooled = jax.ops.segment_sum(messages, batch_e, num_segments=B) # [B, F]
    return pooled

if __name__ == "__main__":
    import jax
    _d = setup_inputs()
    print(jax.jit(kernel)(*tuple(_d.values())))

</pallas_src>

<mosaic_0001>
#map = affine_map<(d0, d1) -> (0, 0)>
module attributes {stable_mosaic.version = 14 : i64} {
  func.func @k(%arg0: i32, %arg1: i32, %arg2: memref<3200000x16xf32, #tpu.memory_space<hbm>>, %arg3: memref<400000x128xf32, #tpu.memory_space<hbm>>, %arg4: memref<640x16xf32, #tpu.memory_space<vmem>>, %arg5: memref<80x128xf32, #tpu.memory_space<vmem>>) attributes {dimension_semantics = [#tpu.dimension_semantics<core_parallel>, #tpu.dimension_semantics<subcore_parallel>], iteration_bounds = array<i64: 2, 16>, scalar_prefetch = 0 : i64, scratch_operands = 2 : i64, tpu.core_type = #tpu.core_type<sc_vector_subcore>, window_params = [{transform_indices = #map}, {transform_indices = #map}]} {
    %mul3A = arith.constant 2 : i32
    %mul3A_0 = arith.muli %arg1, %mul3A : i32
    %add3A = arith.addi %mul3A_0, %arg0 : i32
    %sub3A = arith.constant 5000 : i32
    %sub3A_1 = arith.subi %sub3A, %add3A : i32
    %add3A_2 = arith.constant 31 : i32
    %add3A_3 = arith.addi %sub3A_1, %add3A_2 : i32
    %jit3A = arith.constant 32 : i32
    %div3A = arith.divsi %add3A_3, %jit3A : i32
    %sign3A = arith.constant 0 : i32
    %sign3A_4 = arith.cmpi sgt, %add3A_3, %sign3A : i32
    %sign3A_5 = arith.extui %sign3A_4 : i1 to i32
    %sign3A_6 = arith.constant 0 : i32
    %sign3A_7 = arith.cmpi slt, %add3A_3, %sign3A_6 : i32
    %sign3A_8 = arith.extui %sign3A_7 : i1 to i32
    %sign3A_9 = arith.subi %sign3A_5, %sign3A_8 : i32
    %sign3A_10 = arith.constant 0 : i32
    %sign3A_11 = arith.cmpi sgt, %jit3A, %sign3A_10 : i32
    %sign3A_12 = arith.extui %sign3A_11 : i1 to i32
    %sign3A_13 = arith.constant 0 : i32
    %sign3A_14 = arith.cmpi slt, %jit3A, %sign3A_13 : i32
    %sign3A_15 = arith.extui %sign3A_14 : i1 to i32
    %sign3A_16 = arith.subi %sign3A_12, %sign3A_15 : i32
    %ne3A = arith.cmpi ne, %sign3A_9, %sign3A_16 : i32
    %rem3A = arith.remsi %add3A_3, %jit3A : i32
    %ne3A_17 = arith.constant 0 : i32
    %ne3A_18 = arith.cmpi ne, %rem3A, %ne3A_17 : i32
    %and3A = arith.andi %ne3A, %ne3A_18 : i1
    %sub3A_19 = arith.constant 1 : i32
    %sub3A_20 = arith.subi %div3A, %sub3A_19 : i32
    %select_n3A = arith.select %and3A, %sub3A_20, %div3A : i32
    %while3A = arith.constant 0 : i32
    %while3A_21 = arith.constant 0 : i32
    %while3A_22 = arith.subi %select_n3A, %while3A_21 : i32
    %while3A_23 = arith.addi %while3A_21, %while3A_22 : i32
    %while3A_24 = arith.constant 1 : i32
    %while3A_25 = arith.divsi %while3A_22, %while3A_24 : i32
    %while3A_26 = arith.muli %while3A_25, %while3A_24 : i32
    %while3A_27 = arith.addi %while3A_21, %while3A_26 : i32
    %while3A_28 = arith.constant 1 : i32
    scf.for %while3A_30 = %while3A_21 to %while3A_27 step %while3A_28  : i32 {
      %mul3A_31 = arith.constant 32 : i32
      %mul3A_32 = arith.muli %while3A_30, %mul3A_31 : i32
      %add3A_33 = arith.addi %add3A, %mul3A_32 : i32
      %mul3A_34 = arith.constant 640 : i32
      %mul3A_35 = arith.muli %add3A_33, %mul3A_34 : i32
      %multiple_of3A = tpu.assume_multiple %mul3A_35, 640 : i32
      %mul3A_36 = arith.constant 80 : i32
      %mul3A_37 = arith.muli %add3A_33, %mul3A_36 : i32
      %multiple_of3A_38 = tpu.assume_multiple %mul3A_37, 80 : i32
      "tpu.region"() ({
        %run_scoped3A = tpu.sem_alloc : memref<!tpu.dma_semaphore, #tpu.memory_space<semaphore_mem>>
        %dma_start3A = arith.constant 0 : i32
        %dma_start3A_44 = tpu.memref_slice %arg2[%multiple_of3A, %dma_start3A] : memref<3200000x16xf32, #tpu.memory_space<hbm>> -> memref<640x16xf32, #tpu.memory_space<hbm>>
        %dma_start3A_45 = arith.constant 0 : i32
        %dma_start3A_46 = tpu.memref_slice %arg2[%multiple_of3A, %dma_start3A_45] : memref<3200000x16xf32, #tpu.memory_space<hbm>> -> memref<640x16xf32, #tpu.memory_space<hbm>>
        tpu.enqueue_dma source(%dma_start3A_46 : memref<640x16xf32, #tpu.memory_space<hbm>>) target(%arg4 : memref<640x16xf32, #tpu.memory_space<vmem>>) target_semaphore(%run_scoped3A : memref<!tpu.dma_semaphore, #tpu.memory_space<semaphore_mem>>)
        %dma_wait3A = arith.constant 0 : i32
        %dma_wait3A_47 = tpu.memref_slice %arg2[%multiple_of3A, %dma_wait3A] : memref<3200000x16xf32, #tpu.memory_space<hbm>> -> memref<640x16xf32, #tpu.memory_space<hbm>>
        %dma_wait3A_48 = arith.constant 0 : i32
        %dma_wait3A_49 = tpu.memref_slice %arg2[%multiple_of3A, %dma_wait3A_48] : memref<3200000x16xf32, #tpu.memory_space<hbm>> -> memref<640x16xf32, #tpu.memory_space<hbm>>
        tpu.wait_dma2 semaphore(%run_scoped3A : memref<!tpu.dma_semaphore, #tpu.memory_space<semaphore_mem>>) src(%dma_wait3A_49 : memref<640x16xf32, #tpu.memory_space<hbm>>) dst(%arg4 : memref<640x16xf32, #tpu.memory_space<vmem>>)
        tpu.yield
      }) : () -> ()
      %scan3A = arith.constant 0 : i32
      %scan3A_39 = arith.constant 0 : i32
      %scan3A_40 = arith.constant 80 : i32
      %scan3A_41 = arith.addi %scan3A_39, %scan3A_40 : i32
      %scan3A_42 = arith.constant 4 : i32
      scf.for %scan3A_44 = %scan3A_39 to %scan3A_41 step %scan3A_42  : i32 {
        %mul3A_45 = arith.constant 8 : i32
        %mul3A_46 = arith.muli %scan3A_44, %mul3A_45 : i32
        %add3A_47 = arith.constant 0 : i32
        %add3A_48 = arith.addi %mul3A_46, %add3A_47 : i32
        %get3A = arith.index_cast %add3A_48 : i32 to index
        %get3A_49 = arith.constant 0 : index
        %get3A_50 = tpu.vector_load %arg4[%get3A, %get3A_49] {strides = array<i32>} : memref<640x16xf32, #tpu.memory_space<vmem>>, vector<1x16xf32>,
        %get3A_51 = vector.shape_cast %get3A_50 : vector<1x16xf32> to vector<16xf32>
        %swap3A = arith.index_cast %scan3A_44 : i32 to index
        %swap3A_52 = arith.constant 0 : index
        %swap3A_53 = tpu.vector_load %arg5[%swap3A, %swap3A_52] {strides = array<i32>} : memref<80x128xf32, #tpu.memory_space<vmem>>, vector<1x16xf32>,
        %swap3A_54 = vector.shape_cast %swap3A_53 : vector<1x16xf32> to vector<16xf32>
        %swap3A_55 = vector.shape_cast %get3A_51 : vector<16xf32> to vector<1x16xf32>
        tpu.vector_store %arg5[%swap3A, %swap3A_52], %swap3A_55 {strides = array<i32>} : memref<80x128xf32, #tpu.memory_space<vmem>>, vector<1x16xf32>,
        %mul3A_56 = arith.constant 8 : i32
        %mul3A_57 = arith.muli %scan3A_44, %mul3A_56 : i32
        %add3A_58 = arith.constant 1 : i32
        %add3A_59 = arith.addi %mul3A_57, %add3A_58 : i32
        %get3A_60 = arith.index_cast %add3A_59 : i32 to index
        %get3A_61 = arith.constant 0 : index
        %get3A_62 = tpu.vector_load %arg4[%get3A_60, %get3A_61] {strides = array<i32>} : memref<640x16xf32, #tpu.memory_space<vmem>>, vector<1x16xf32>,
        %get3A_63 = vector.shape_cast %get3A_62 : vector<1x16xf32> to vector<16xf32>
        %swap3A_64 = arith.index_cast %scan3A_44 : i32 to index
        %swap3A_65 = arith.constant 16 : index
        %swap3A_66 = tpu.vector_load %arg5[%swap3A_64, %swap3A_65] {strides = array<i32>} : memref<80x128xf32, #tpu.memory_space<vmem>>, vector<1x16xf32>,
        %swap3A_67 = vector.shape_cast %swap3A_66 : vector<1x16xf32> to vector<16xf32>
        %swap3A_68 = vector.shape_cast %get3A_63 : vector<16xf32> to vector<1x16xf32>
        tpu.vector_store %arg5[%swap3A_64, %swap3A_65], %swap3A_68 {strides = array<i32>} : memref<80x128xf32, #tpu.memory_space<vmem>>, vector<1x16xf32>,
        %mul3A_69 = arith.constant 8 : i32
        %mul3A_70 = arith.muli %scan3A_44, %mul3A_69 : i32
        %add3A_71 = arith.constant 2 : i32
        %add3A_72 = arith.addi %mul3A_70, %add3A_71 : i32
        %get3A_73 = arith.index_cast %add3A_72 : i32 to index
        %get3A_74 = arith.constant 0 : index
        %get3A_75 = tpu.vector_load %arg4[%get3A_73, %get3A_74] {strides = array<i32>} : memref<640x16xf32, #tpu.memory_space<vmem>>, vector<1x16xf32>,
        %get3A_76 = vector.shape_cast %get3A_75 : vector<1x16xf32> to vector<16xf32>
        %swap3A_77 = arith.index_cast %scan3A_44 : i32 to index
        %swap3A_78 = arith.constant 32 : index
        %swap3A_79 = tpu.vector_load %arg5[%swap3A_77, %swap3A_78] {strides = array<i32>} : memref<80x128xf32, #tpu.memory_space<vmem>>, vector<1x16xf32>,
        %swap3A_80 = vector.shape_cast %swap3A_79 : vector<1x16xf32> to vector<16xf32>
        %swap3A_81 = vector.shape_cast %get3A_76 : vector<16xf32> to vector<1x16xf32>
        tpu.vector_store %arg5[%swap3A_77, %swap3A_78], %swap3A_81 {strides = array<i32>} : memref<80x128xf32, #tpu.memory_space<vmem>>, vector<1x16xf32>,
        %mul3A_82 = arith.constant 8 : i32
        %mul3A_83 = arith.muli %scan3A_44, %mul3A_82 : i32
        %add3A_84 = arith.constant 3 : i32
        %add3A_85 = arith.addi %mul3A_83, %add3A_84 : i32
        %get3A_86 = arith.index_cast %add3A_85 : i32 to index
        %get3A_87 = arith.constant 0 : index
        %get3A_88 = tpu.vector_load %arg4[%get3A_86, %get3A_87] {strides = array<i32>} : memref<640x16xf32, #tpu.memory_space<vmem>>, vector<1x16xf32>,
        %get3A_89 = vector.shape_cast %get3A_88 : vector<1x16xf32> to vector<16xf32>
        %swap3A_90 = arith.index_cast %scan3A_44 : i32 to index
        %swap3A_91 = arith.constant 48 : index
        %swap3A_92 = tpu.vector_load %arg5[%swap3A_90, %swap3A_91] {strides = array<i32>} : memref<80x128xf32, #tpu.memory_space<vmem>>, vector<1x16xf32>,
        %swap3A_93 = vector.shape_cast %swap3A_92 : vector<1x16xf32> to vector<16xf32>
        %swap3A_94 = vector.shape_cast %get3A_89 : vector<16xf32> to vector<1x16xf32>
        tpu.vector_store %arg5[%swap3A_90, %swap3A_91], %swap3A_94 {strides = array<i32>} : memref<80x128xf32, #tpu.memory_space<vmem>>, vector<1x16xf32>,
        %mul3A_95 = arith.constant 8 : i32
        %mul3A_96 = arith.muli %scan3A_44, %mul3A_95 : i32
        %add3A_97 = arith.constant 4 : i32
        %add3A_98 = arith.addi %mul3A_96, %add3A_97 : i32
        %get3A_99 = arith.index_cast %add3A_98 : i32 to index
        %get3A_100 = arith.constant 0 : index
        %get3A_101 = tpu.vector_load %arg4[%get3A_99, %get3A_100] {strides = array<i32>} : memref<640x16xf32, #tpu.memory_space<vmem>>, vector<1x16xf32>,
        %get3A_102 = vector.shape_cast %get3A_101 : vector<1x16xf32> to vector<16xf32>
        %swap3A_103 = arith.index_cast %scan3A_44 : i32 to index
        %swap3A_104 = arith.constant 64 : index
        %swap3A_105 = tpu.vector_load %arg5[%swap3A_103, %swap3A_104] {strides = array<i32>} : memref<80x128xf32, #tpu.memory_space<vmem>>, vector<1x16xf32>,
        %swap3A_106 = vector.shape_cast %swap3A_105 : vector<1x16xf32> to vector<16xf32>
        %swap3A_107 = vector.shape_cast %get3A_102 : vector<16xf32> to vector<1x16xf32>
        tpu.vector_store %arg5[%swap3A_103, %swap3A_104], %swap3A_107 {strides = array<i32>} : memref<80x128xf32, #tpu.memory_space<vmem>>, vector<1x16xf32>,
        %mul3A_108 = arith.constant 8 : i32
        %mul3A_109 = arith.muli %scan3A_44, %mul3A_108 : i32
        %add3A_110 = arith.constant 5 : i32
        %add3A_111 = arith.addi %mul3A_109, %add3A_110 : i32
        %get3A_112 = arith.index_cast %add3A_111 : i32 to index
        %get3A_113 = arith.constant 0 : index
        %get3A_114 = tpu.vector_load %arg4[%get3A_112, %get3A_113] {strides = array<i32>} : memref<640x16xf32, #tpu.memory_space<vmem>>, vector<1x16xf32>,
        %get3A_115 = vector.shape_cast %get3A_114 : vector<1x16xf32> to vector<16xf32>
        %swap3A_116 = arith.index_cast %scan3A_44 : i32 to index
        %swap3A_117 = arith.constant 80 : index
        %swap3A_118 = tpu.vector_load %arg5[%swap3A_116, %swap3A_117] {strides = array<i32>} : memref<80x128xf32, #tpu.memory_space<vmem>>, vector<1x16xf32>,
        %swap3A_119 = vector.shape_cast %swap3A_118 : vector<1x16xf32> to vector<16xf32>
        %swap3A_120 = vector.shape_cast %get3A_115 : vector<16xf32> to vector<1x16xf32>
        tpu.vector_store %arg5[%swap3A_116, %swap3A_117], %swap3A_120 {strides = array<i32>} : memref<80x128xf32, #tpu.memory_space<vmem>>, vector<1x16xf32>,
        %mul3A_121 = arith.constant 8 : i32
        %mul3A_122 = arith.muli %scan3A_44, %mul3A_121 : i32
        %add3A_123 = arith.constant 6 : i32
        %add3A_124 = arith.addi %mul3A_122, %add3A_123 : i32
        %get3A_125 = arith.index_cast %add3A_124 : i32 to index
        %get3A_126 = arith.constant 0 : index
        %get3A_127 = tpu.vector_load %arg4[%get3A_125, %get3A_126] {strides = array<i32>} : memref<640x16xf32, #tpu.memory_space<vmem>>, vector<1x16xf32>,
        %get3A_128 = vector.shape_cast %get3A_127 : vector<1x16xf32> to vector<16xf32>
        %swap3A_129 = arith.index_cast %scan3A_44 : i32 to index
        %swap3A_130 = arith.constant 96 : index
        %swap3A_131 = tpu.vector_load %arg5[%swap3A_129, %swap3A_130] {strides = array<i32>} : memref<80x128xf32, #tpu.memory_space<vmem>>, vector<1x16xf32>,
        %swap3A_132 = vector.shape_cast %swap3A_131 : vector<1x16xf32> to vector<16xf32>
        %swap3A_133 = vector.shape_cast %get3A_128 : vector<16xf32> to vector<1x16xf32>
        tpu.vector_store %arg5[%swap3A_129, %swap3A_130], %swap3A_133 {strides = array<i32>} : memref<80x128xf32, #tpu.memory_space<vmem>>, vector<1x16xf32>,
        %mul3A_134 = arith.constant 8 : i32
        %mul3A_135 = arith.muli %scan3A_44, %mul3A_134 : i32
        %add3A_136 = arith.constant 7 : i32
        %add3A_137 = arith.addi %mul3A_135, %add3A_136 : i32
        %get3A_138 = arith.index_cast %add3A_137 : i32 to index
        %get3A_139 = arith.constant 0 : index
        %get3A_140 = tpu.vector_load %arg4[%get3A_138, %get3A_139] {strides = array<i32>} : memref<640x16xf32, #tpu.memory_space<vmem>>, vector<1x16xf32>,
        %get3A_141 = vector.shape_cast %get3A_140 : vector<1x16xf32> to vector<16xf32>
        %swap3A_142 = arith.index_cast %scan3A_44 : i32 to index
        %swap3A_143 = arith.constant 112 : index
        %swap3A_144 = tpu.vector_load %arg5[%swap3A_142, %swap3A_143] {strides = array<i32>} : memref<80x128xf32, #tpu.memory_space<vmem>>, vector<1x16xf32>,
        %swap3A_145 = vector.shape_cast %swap3A_144 : vector<1x16xf32> to vector<16xf32>
        %swap3A_146 = vector.shape_cast %get3A_141 : vector<16xf32> to vector<1x16xf32>
        tpu.vector_store %arg5[%swap3A_142, %swap3A_143], %swap3A_146 {strides = array<i32>} : memref<80x128xf32, #tpu.memory_space<vmem>>, vector<1x16xf32>,
        %scan3A_147 = arith.constant 1 : i32
        %scan3A_148 = arith.addi %scan3A_44, %scan3A_147 : i32
        %mul3A_149 = arith.constant 8 : i32
        %mul3A_150 = arith.muli %scan3A_148, %mul3A_149 : i32
        %add3A_151 = arith.constant 0 : i32
        %add3A_152 = arith.addi %mul3A_150, %add3A_151 : i32
        %get3A_153 = arith.index_cast %add3A_152 : i32 to index
        %get3A_154 = arith.constant 0 : index
        %get3A_155 = tpu.vector_load %arg4[%get3A_153, %get3A_154] {strides = array<i32>} : memref<640x16xf32, #tpu.memory_space<vmem>>, vector<1x16xf32>,
        %get3A_156 = vector.shape_cast %get3A_155 : vector<1x16xf32> to vector<16xf32>
        %swap3A_157 = arith.index_cast %scan3A_148 : i32 to index
        %swap3A_158 = arith.constant 0 : index
        %swap3A_159 = tpu.vector_load %arg5[%swap3A_157, %swap3A_158] {strides = array<i32>} : memref<80x128xf32, #tpu.memory_space<vmem>>, vector<1x16xf32>,
        %swap3A_160 = vector.shape_cast %swap3A_159 : vector<1x16xf32> to vector<16xf32>
        %swap3A_161 = vector.shape_cast %get3A_156 : vector<16xf32> to vector<1x16xf32>
        tpu.vector_store %arg5[%swap3A_157, %swap3A_158], %swap3A_161 {strides = array<i32>} : memref<80x128xf32, #tpu.memory_space<vmem>>, vector<1x16xf32>,
        %mul3A_162 = arith.constant 8 : i32
        %mul3A_163 = arith.muli %scan3A_148, %mul3A_162 : i32
        %add3A_164 = arith.constant 1 : i32
        %add3A_165 = arith.addi %mul3A_163, %add3A_164 : i32
        %get3A_166 = arith.index_cast %add3A_165 : i32 to index
        %get3A_167 = arith.constant 0 : index
        %get3A_168 = tpu.vector_load %arg4[%get3A_166, %get3A_167] {strides = array<i32>} : memref<640x16xf32, #tpu.memory_space<vmem>>, vector<1x16xf32>,
        %get3A_169 = vector.shape_cast %get3A_168 : vector<1x16xf32> to vector<16xf32>
        %swap3A_170 = arith.index_cast %scan3A_148 : i32 to index
        %swap3A_171 = arith.constant 16 : index
        %swap3A_172 = tpu.vector_load %arg5[%swap3A_170, %swap3A_171] {strides = array<i32>} : memref<80x128xf32, #tpu.memory_space<vmem>>, vector<1x16xf32>,
        %swap3A_173 = vector.shape_cast %swap3A_172 : vector<1x16xf32> to vector<16xf32>
        %swap3A_174 = vector.shape_cast %get3A_169 : vector<16xf32> to vector<1x16xf32>
        tpu.vector_store %arg5[%swap3A_170, %swap3A_171], %swap3A_174 {strides = array<i32>} : memref<80x128xf32, #tpu.memory_space<vmem>>, vector<1x16xf32>,
        %mul3A_175 = arith.constant 8 : i32
        %mul3A_176 = arith.muli %scan3A_148, %mul3A_175 : i32
        %add3A_177 = arith.constant 2 : i32
        %add3A_178 = arith.addi %mul3A_176, %add3A_177 : i32
        %get3A_179 = arith.index_cast %add3A_178 : i32 to index
        %get3A_180 = arith.constant 0 : index
        %get3A_181 = tpu.vector_load %arg4[%get3A_179, %get3A_180] {strides = array<i32>} : memref<640x16xf32, #tpu.memory_space<vmem>>, vector<1x16xf32>,
        %get3A_182 = vector.shape_cast %get3A_181 : vector<1x16xf32> to vector<16xf32>
        %swap3A_183 = arith.index_cast %scan3A_148 : i32 to index
        %swap3A_184 = arith.constant 32 : index
        %swap3A_185 = tpu.vector_load %arg5[%swap3A_183, %swap3A_184] {strides = array<i32>} : memref<80x128xf32, #tpu.memory_space<vmem>>, vector<1x16xf32>,
        %swap3A_186 = vector.shape_cast %swap3A_185 : vector<1x16xf32> to vector<16xf32>
        %swap3A_187 = vector.shape_cast %get3A_182 : vector<16xf32> to vector<1x16xf32>
        tpu.vector_store %arg5[%swap3A_183, %swap3A_184], %swap3A_187 {strides = array<i32>} : memref<80x128xf32, #tpu.memory_space<vmem>>, vector<1x16xf32>,
        %mul3A_188 = arith.constant 8 : i32
        %mul3A_189 = arith.muli %scan3A_148, %mul3A_188 : i32
        %add3A_190 = arith.constant 3 : i32
        %add3A_191 = arith.addi %mul3A_189, %add3A_190 : i32
        %get3A_192 = arith.index_cast %add3A_191 : i32 to index
        %get3A_193 = arith.constant 0 : index
        %get3A_194 = tpu.vector_load %arg4[%get3A_192, %get3A_193] {strides = array<i32>} : memref<640x16xf32, #tpu.memory_space<vmem>>, vector<1x16xf32>,
        %get3A_195 = vector.shape_cast %get3A_194 : vector<1x16xf32> to vector<16xf32>
        %swap3A_196 = arith.index_cast %scan3A_148 : i32 to index
        %swap3A_197 = arith.constant 48 : index
        %swap3A_198 = tpu.vector_load %arg5[%swap3A_196, %swap3A_197] {strides = array<i32>} : memref<80x128xf32, #tpu.memory_space<vmem>>, vector<1x16xf32>,
        %swap3A_199 = vector.shape_cast %swap3A_198 : vector<1x16xf32> to vector<16xf32>
        %swap3A_200 = vector.shape_cast %get3A_195 : vector<16xf32> to vector<1x16xf32>
        tpu.vector_store %arg5[%swap3A_196, %swap3A_197], %swap3A_200 {strides = array<i32>} : memref<80x128xf32, #tpu.memory_space<vmem>>, vector<1x16xf32>,
        %mul3A_201 = arith.constant 8 : i32
        %mul3A_202 = arith.muli %scan3A_148, %mul3A_201 : i32
        %add3A_203 = arith.constant 4 : i32
        %add3A_204 = arith.addi %mul3A_202, %add3A_203 : i32
        %get3A_205 = arith.index_cast %add3A_204 : i32 to index
        %get3A_206 = arith.constant 0 : index
        %get3A_207 = tpu.vector_load %arg4[%get3A_205, %get3A_206] {strides = array<i32>} : memref<640x16xf32, #tpu.memory_space<vmem>>, vector<1x16xf32>,
        %get3A_208 = vector.shape_cast %get3A_207 : vector<1x16xf32> to vector<16xf32>
        %swap3A_209 = arith.index_cast %scan3A_148 : i32 to index
        %swap3A_210 = arith.constant 64 : index
        %swap3A_211 = tpu.vector_load %arg5[%swap3A_209, %swap3A_210] {strides = array<i32>} : memref<80x128xf32, #tpu.memory_space<vmem>>, vector<1x16xf32>,
        %swap3A_212 = vector.shape_cast %swap3A_211 : vector<1x16xf32> to vector<16xf32>
        %swap3A_213 = vector.shape_cast %get3A_208 : vector<16xf32> to vector<1x16xf32>
        tpu.vector_store %arg5[%swap3A_209, %swap3A_210], %swap3A_213 {strides = array<i32>} : memref<80x128xf32, #tpu.memory_space<vmem>>, vector<1x16xf32>,
        %mul3A_214 = arith.constant 8 : i32
        %mul3A_215 = arith.muli %scan3A_148, %mul3A_214 : i32
        %add3A_216 = arith.constant 5 : i32
        %add3A_217 = arith.addi %mul3A_215, %add3A_216 : i32
        %get3A_218 = arith.index_cast %add3A_217 : i32 to index
        %get3A_219 = arith.constant 0 : index
        %get3A_220 = tpu.vector_load %arg4[%get3A_218, %get3A_219] {strides = array<i32>} : memref<640x16xf32, #tpu.memory_space<vmem>>, vector<1x16xf32>,
        %get3A_221 = vector.shape_cast %get3A_220 : vector<1x16xf32> to vector<16xf32>
        %swap3A_222 = arith.index_cast %scan3A_148 : i32 to index
        %swap3A_223 = arith.constant 80 : index
        %swap3A_224 = tpu.vector_load %arg5[%swap3A_222, %swap3A_223] {strides = array<i32>} : memref<80x128xf32, #tpu.memory_space<vmem>>, vector<1x16xf32>,
        %swap3A_225 = vector.shape_cast %swap3A_224 : vector<1x16xf32> to vector<16xf32>
        %swap3A_226 = vector.shape_cast %get3A_221 : vector<16xf32> to vector<1x16xf32>
        tpu.vector_store %arg5[%swap3A_222, %swap3A_223], %swap3A_226 {strides = array<i32>} : memref<80x128xf32, #tpu.memory_space<vmem>>, vector<1x16xf32>,
        %mul3A_227 = arith.constant 8 : i32
        %mul3A_228 = arith.muli %scan3A_148, %mul3A_227 : i32
        %add3A_229 = arith.constant 6 : i32
        %add3A_230 = arith.addi %mul3A_228, %add3A_229 : i32
        %get3A_231 = arith.index_cast %add3A_230 : i32 to index
        %get3A_232 = arith.constant 0 : index
        %get3A_233 = tpu.vector_load %arg4[%get3A_231, %get3A_232] {strides = array<i32>} : memref<640x16xf32, #tpu.memory_space<vmem>>, vector<1x16xf32>,
        %get3A_234 = vector.shape_cast %get3A_233 : vector<1x16xf32> to vector<16xf32>
        %swap3A_235 = arith.index_cast %scan3A_148 : i32 to index
        %swap3A_236 = arith.constant 96 : index
        %swap3A_237 = tpu.vector_load %arg5[%swap3A_235, %swap3A_236] {strides = array<i32>} : memref<80x128xf32, #tpu.memory_space<vmem>>, vector<1x16xf32>,
        %swap3A_238 = vector.shape_cast %swap3A_237 : vector<1x16xf32> to vector<16xf32>
        %swap3A_239 = vector.shape_cast %get3A_234 : vector<16xf32> to vector<1x16xf32>
        tpu.vector_store %arg5[%swap3A_235, %swap3A_236], %swap3A_239 {strides = array<i32>} : memref<80x128xf32, #tpu.memory_space<vmem>>, vector<1x16xf32>,
        %mul3A_240 = arith.constant 8 : i32
        %mul3A_241 = arith.muli %scan3A_148, %mul3A_240 : i32
        %add3A_242 = arith.constant 7 : i32
        %add3A_243 = arith.addi %mul3A_241, %add3A_242 : i32
        %get3A_244 = arith.index_cast %add3A_243 : i32 to index
        %get3A_245 = arith.constant 0 : index
        %get3A_246 = tpu.vector_load %arg4[%get3A_244, %get3A_245] {strides = array<i32>} : memref<640x16xf32, #tpu.memory_space<vmem>>, vector<1x16xf32>,
        %get3A_247 = vector.shape_cast %get3A_246 : vector<1x16xf32> to vector<16xf32>
        %swap3A_248 = arith.index_cast %scan3A_148 : i32 to index
        %swap3A_249 = arith.constant 112 : index
        %swap3A_250 = tpu.vector_load %arg5[%swap3A_248, %swap3A_249] {strides = array<i32>} : memref<80x128xf32, #tpu.memory_space<vmem>>, vector<1x16xf32>,
        %swap3A_251 = vector.shape_cast %swap3A_250 : vector<1x16xf32> to vector<16xf32>
        %swap3A_252 = vector.shape_cast %get3A_247 : vector<16xf32> to vector<1x16xf32>
        tpu.vector_store %arg5[%swap3A_248, %swap3A_249], %swap3A_252 {strides = array<i32>} : memref<80x128xf32, #tpu.memory_space<vmem>>, vector<1x16xf32>,
        %scan3A_253 = arith.constant 2 : i32
        %scan3A_254 = arith.addi %scan3A_44, %scan3A_253 : i32
        %mul3A_255 = arith.constant 8 : i32
        %mul3A_256 = arith.muli %scan3A_254, %mul3A_255 : i32
        %add3A_257 = arith.constant 0 : i32
        %add3A_258 = arith.addi %mul3A_256, %add3A_257 : i32
        %get3A_259 = arith.index_cast %add3A_258 : i32 to index
        %get3A_260 = arith.constant 0 : index
        %get3A_261 = tpu.vector_load %arg4[%get3A_259, %get3A_260] {strides = array<i32>} : memref<640x16xf32, #tpu.memory_space<vmem>>, vector<1x16xf32>,
        %get3A_262 = vector.shape_cast %get3A_261 : vector<1x16xf32> to vector<16xf32>
        %swap3A_263 = arith.index_cast %scan3A_254 : i32 to index
        %swap3A_264 = arith.constant 0 : index
        %swap3A_265 = tpu.vector_load %arg5[%swap3A_263, %swap3A_264] {strides = array<i32>} : memref<80x128xf32, #tpu.memory_space<vmem>>, vector<1x16xf32>,
        %swap3A_266 = vector.shape_cast %swap3A_265 : vector<1x16xf32> to vector<16xf32>
        %swap3A_267 = vector.shape_cast %get3A_262 : vector<16xf32> to vector<1x16xf32>
        tpu.vector_store %arg5[%swap3A_263, %swap3A_264], %swap3A_267 {strides = array<i32>} : memref<80x128xf32, #tpu.memory_space<vmem>>, vector<1x16xf32>,
        %mul3A_268 = arith.constant 8 : i32
        %mul3A_269 = arith.muli %scan3A_254, %mul3A_268 : i32
        %add3A_270 = arith.constant 1 : i32
        %add3A_271 = arith.addi %mul3A_269, %add3A_270 : i32
        %get3A_272 = arith.index_cast %add3A_271 : i32 to index
        %get3A_273 = arith.constant 0 : index
        %get3A_274 = tpu.vector_load %arg4[%get3A_272, %get3A_273] {strides = array<i32>} : memref<640x16xf32, #tpu.memory_space<vmem>>, vector<1x16xf32>,
        %get3A_275 = vector.shape_cast %get3A_274 : vector<1x16xf32> to vector<16xf32>
        %swap3A_276 = arith.index_cast %scan3A_254 : i32 to index
        %swap3A_277 = arith.constant 16 : index
        %swap3A_278 = tpu.vector_load %arg5[%swap3A_276, %swap3A_277] {strides = array<i32>} : memref<80x128xf32, #tpu.memory_space<vmem>>, vector<1x16xf32>,
        %swap3A_279 = vector.shape_cast %swap3A_278 : vector<1x16xf32> to vector<16xf32>
        %swap3A_280 = vector.shape_cast %get3A_275 : vector<16xf32> to vector<1x16xf32>
        tpu.vector_store %arg5[%swap3A_276, %swap3A_277], %swap3A_280 {strides = array<i32>} : memref<80x128xf32, #tpu.memory_space<vmem>>, vector<1x16xf32>,
        %mul3A_281 = arith.constant 8 : i32
        %mul3A_282 = arith.muli %scan3A_254, %mul3A_281 : i32
        %add3A_283 = arith.constant 2 : i32
        %add3A_284 = arith.addi %mul3A_282, %add3A_283 : i32
        %get3A_285 = arith.index_cast %add3A_284 : i32 to index
        %get3A_286 = arith.constant 0 : index
        %get3A_287 = tpu.vector_load %arg4[%get3A_285, %get3A_286] {strides = array<i32>} : memref<640x16xf32, #tpu.memory_space<vmem>>, vector<1x16xf32>,
        %get3A_288 = vector.shape_cast %get3A_287 : vector<1x16xf32> to vector<16xf32>
        %swap3A_289 = arith.index_cast %scan3A_254 : i32 to index
        %swap3A_290 = arith.constant 32 : index
        %swap3A_291 = tpu.vector_load %arg5[%swap3A_289, %swap3A_290] {strides = array<i32>} : memref<80x128xf32, #tpu.memory_space<vmem>>, vector<1x16xf32>,
        %swap3A_292 = vector.shape_cast %swap3A_291 : vector<1x16xf32> to vector<16xf32>
        %swap3A_293 = vector.shape_cast %get3A_288 : vector<16xf32> to vector<1x16xf32>
        tpu.vector_store %arg5[%swap3A_289, %swap3A_290], %swap3A_293 {strides = array<i32>} : memref<80x128xf32, #tpu.memory_space<vmem>>, vector<1x16xf32>,
        %mul3A_294 = arith.constant 8 : i32
        %mul3A_295 = arith.muli %scan3A_254, %mul3A_294 : i32
        %add3A_296 = arith.constant 3 : i32
        %add3A_297 = arith.addi %mul3A_295, %add3A_296 : i32
        %get3A_298 = arith.index_cast %add3A_297 : i32 to index
        %get3A_299 = arith.constant 0 : index
        %get3A_300 = tpu.vector_load %arg4[%get3A_298, %get3A_299] {strides = array<i32>} : memref<640x16xf32, #tpu.memory_space<vmem>>, vector<1x16xf32>,
        %get3A_301 = vector.shape_cast %get3A_300 : vector<1x16xf32> to vector<16xf32>
        %swap3A_302 = arith.index_cast %scan3A_254 : i32 to index
        %swap3A_303 = arith.constant 48 : index
        %swap3A_304 = tpu.vector_load %arg5[%swap3A_302, %swap3A_303] {strides = array<i32>} : memref<80x128xf32, #tpu.memory_space<vmem>>, vector<1x16xf32>,
        %swap3A_305 = vector.shape_cast %swap3A_304 : vector<1x16xf32> to vector<16xf32>
        %swap3A_306 = vector.shape_cast %get3A_301 : vector<16xf32> to vector<1x16xf32>
        tpu.vector_store %arg5[%swap3A_302, %swap3A_303], %swap3A_306 {strides = array<i32>} : memref<80x128xf32, #tpu.memory_space<vmem>>, vector<1x16xf32>,
        %mul3A_307 = arith.constant 8 : i32
        %mul3A_308 = arith.muli %scan3A_254, %mul3A_307 : i32
        %add3A_309 = arith.constant 4 : i32
        %add3A_310 = arith.addi %mul3A_308, %add3A_309 : i32
        %get3A_311 = arith.index_cast %add3A_310 : i32 to index
        %get3A_312 = arith.constant 0 : index
        %get3A_313 = tpu.vector_load %arg4[%get3A_311, %get3A_312] {strides = array<i32>} : memref<640x16xf32, #tpu.memory_space<vmem>>, vector<1x16xf32>,
        %get3A_314 = vector.shape_cast %get3A_313 : vector<1x16xf32> to vector<16xf32>
        %swap3A_315 = arith.index_cast %scan3A_254 : i32 to index
        %swap3A_316 = arith.constant 64 : index
        %swap3A_317 = tpu.vector_load %arg5[%swap3A_315, %swap3A_316] {strides = array<i32>} : memref<80x128xf32, #tpu.memory_space<vmem>>, vector<1x16xf32>,
        %swap3A_318 = vector.shape_cast %swap3A_317 : vector<1x16xf32> to vector<16xf32>
        %swap3A_319 = vector.shape_cast %get3A_314 : vector<16xf32> to vector<1x16xf32>
        tpu.vector_store %arg5[%swap3A_315, %swap3A_316], %swap3A_319 {strides = array<i32>} : memref<80x128xf32, #tpu.memory_space<vmem>>, vector<1x16xf32>,
        %mul3A_320 = arith.constant 8 : i32
        %mul3A_321 = arith.muli %scan3A_254, %mul3A_320 : i32
        %add3A_322 = arith.constant 5 : i32
        %add3A_323 = arith.addi %mul3A_321, %add3A_322 : i32
        %get3A_324 = arith.index_cast %add3A_323 : i32 to index
        %get3A_325 = arith.constant 0 : index
        %get3A_326 = tpu.vector_load %arg4[%get3A_324, %get3A_325] {strides = array<i32>} : memref<640x16xf32, #tpu.memory_space<vmem>>, vector<1x16xf32>,
        %get3A_327 = vector.shape_cast %get3A_326 : vector<1x16xf32> to vector<16xf32>
        %swap3A_328 = arith.index_cast %scan3A_254 : i32 to index
        %swap3A_329 = arith.constant 80 : index
        %swap3A_330 = tpu.vector_load %arg5[%swap3A_328, %swap3A_329] {strides = array<i32>} : memref<80x128xf32, #tpu.memory_space<vmem>>, vector<1x16xf32>,
        %swap3A_331 = vector.shape_cast %swap3A_330 : vector<1x16xf32> to vector<16xf32>
        %swap3A_332 = vector.shape_cast %get3A_327 : vector<16xf32> to vector<1x16xf32>
        tpu.vector_store %arg5[%swap3A_328, %swap3A_329], %swap3A_332 {strides = array<i32>} : memref<80x128xf32, #tpu.memory_space<vmem>>, vector<1x16xf32>,
        %mul3A_333 = arith.constant 8 : i32
        %mul3A_334 = arith.muli %scan3A_254, %mul3A_333 : i32
        %add3A_335 = arith.constant 6 : i32
        %add3A_336 = arith.addi %mul3A_334, %add3A_335 : i32
        %get3A_337 = arith.index_cast %add3A_336 : i32 to index
        %get3A_338 = arith.constant 0 : index
        %get3A_339 = tpu.vector_load %arg4[%get3A_337, %get3A_338] {strides = array<i32>} : memref<640x16xf32, #tpu.memory_space<vmem>>, vector<1x16xf32>,
        %get3A_340 = vector.shape_cast %get3A_339 : vector<1x16xf32> to vector<16xf32>
        %swap3A_341 = arith.index_cast %scan3A_254 : i32 to index
        %swap3A_342 = arith.constant 96 : index
        %swap3A_343 = tpu.vector_load %arg5[%swap3A_341, %swap3A_342] {strides = array<i32>} : memref<80x128xf32, #tpu.memory_space<vmem>>, vector<1x16xf32>,
        %swap3A_344 = vector.shape_cast %swap3A_343 : vector<1x16xf32> to vector<16xf32>
        %swap3A_345 = vector.shape_cast %get3A_340 : vector<16xf32> to vector<1x16xf32>
        tpu.vector_store %arg5[%swap3A_341, %swap3A_342], %swap3A_345 {strides = array<i32>} : memref<80x128xf32, #tpu.memory_space<vmem>>, vector<1x16xf32>,
        %mul3A_346 = arith.constant 8 : i32
        %mul3A_347 = arith.muli %scan3A_254, %mul3A_346 : i32
        %add3A_348 = arith.constant 7 : i32
        %add3A_349 = arith.addi %mul3A_347, %add3A_348 : i32
        %get3A_350 = arith.index_cast %add3A_349 : i32 to index
        %get3A_351 = arith.constant 0 : index
        %get3A_352 = tpu.vector_load %arg4[%get3A_350, %get3A_351] {strides = array<i32>} : memref<640x16xf32, #tpu.memory_space<vmem>>, vector<1x16xf32>,
        %get3A_353 = vector.shape_cast %get3A_352 : vector<1x16xf32> to vector<16xf32>
        %swap3A_354 = arith.index_cast %scan3A_254 : i32 to index
        %swap3A_355 = arith.constant 112 : index
        %swap3A_356 = tpu.vector_load %arg5[%swap3A_354, %swap3A_355] {strides = array<i32>} : memref<80x128xf32, #tpu.memory_space<vmem>>, vector<1x16xf32>,
        %swap3A_357 = vector.shape_cast %swap3A_356 : vector<1x16xf32> to vector<16xf32>
        %swap3A_358 = vector.shape_cast %get3A_353 : vector<16xf32> to vector<1x16xf32>
        tpu.vector_store %arg5[%swap3A_354, %swap3A_355], %swap3A_358 {strides = array<i32>} : memref<80x128xf32, #tpu.memory_space<vmem>>, vector<1x16xf32>,
        %scan3A_359 = arith.constant 3 : i32
        %scan3A_360 = arith.addi %scan3A_44, %scan3A_359 : i32
        %mul3A_361 = arith.constant 8 : i32
        %mul3A_362 = arith.muli %scan3A_360, %mul3A_361 : i32
        %add3A_363 = arith.constant 0 : i32
        %add3A_364 = arith.addi %mul3A_362, %add3A_363 : i32
        %get3A_365 = arith.index_cast %add3A_364 : i32 to index
        %get3A_366 = arith.constant 0 : index
        %get3A_367 = tpu.vector_load %arg4[%get3A_365, %get3A_366] {strides = array<i32>} : memref<640x16xf32, #tpu.memory_space<vmem>>, vector<1x16xf32>,
        %get3A_368 = vector.shape_cast %get3A_367 : vector<1x16xf32> to vector<16xf32>
        %swap3A_369 = arith.index_cast %scan3A_360 : i32 to index
        %swap3A_370 = arith.constant 0 : index
        %swap3A_371 = tpu.vector_load %arg5[%swap3A_369, %swap3A_370] {strides = array<i32>} : memref<80x128xf32, #tpu.memory_space<vmem>>, vector<1x16xf32>,
        %swap3A_372 = vector.shape_cast %swap3A_371 : vector<1x16xf32> to vector<16xf32>
        %swap3A_373 = vector.shape_cast %get3A_368 : vector<16xf32> to vector<1x16xf32>
        tpu.vector_store %arg5[%swap3A_369, %swap3A_370], %swap3A_373 {strides = array<i32>} : memref<80x128xf32, #tpu.memory_space<vmem>>, vector<1x16xf32>,
        %mul3A_374 = arith.constant 8 : i32
        %mul3A_375 = arith.muli %scan3A_360, %mul3A_374 : i32
        %add3A_376 = arith.constant 1 : i32
        %add3A_377 = arith.addi %mul3A_375, %add3A_376 : i32
        %get3A_378 = arith.index_cast %add3A_377 : i32 to index
        %get3A_379 = arith.constant 0 : index
        %get3A_380 = tpu.vector_load %arg4[%get3A_378, %get3A_379] {strides = array<i32>} : memref<640x16xf32, #tpu.memory_space<vmem>>, vector<1x16xf32>,
        %get3A_381 = vector.shape_cast %get3A_380 : vector<1x16xf32> to vector<16xf32>
        %swap3A_382 = arith.index_cast %scan3A_360 : i32 to index
        %swap3A_383 = arith.constant 16 : index
        %swap3A_384 = tpu.vector_load %arg5[%swap3A_382, %swap3A_383] {strides = array<i32>} : memref<80x128xf32, #tpu.memory_space<vmem>>, vector<1x16xf32>,
        %swap3A_385 = vector.shape_cast %swap3A_384 : vector<1x16xf32> to vector<16xf32>
        %swap3A_386 = vector.shape_cast %get3A_381 : vector<16xf32> to vector<1x16xf32>
        tpu.vector_store %arg5[%swap3A_382, %swap3A_383], %swap3A_386 {strides = array<i32>} : memref<80x128xf32, #tpu.memory_space<vmem>>, vector<1x16xf32>,
        %mul3A_387 = arith.constant 8 : i32
        %mul3A_388 = arith.muli %scan3A_360, %mul3A_387 : i32
        %add3A_389 = arith.constant 2 : i32
        %add3A_390 = arith.addi %mul3A_388, %add3A_389 : i32
        %get3A_391 = arith.index_cast %add3A_390 : i32 to index
        %get3A_392 = arith.constant 0 : index
        %get3A_393 = tpu.vector_load %arg4[%get3A_391, %get3A_392] {strides = array<i32>} : memref<640x16xf32, #tpu.memory_space<vmem>>, vector<1x16xf32>,
        %get3A_394 = vector.shape_cast %get3A_393 : vector<1x16xf32> to vector<16xf32>
        %swap3A_395 = arith.index_cast %scan3A_360 : i32 to index
        %swap3A_396 = arith.constant 32 : index
        %swap3A_397 = tpu.vector_load %arg5[%swap3A_395, %swap3A_396] {strides = array<i32>} : memref<80x128xf32, #tpu.memory_space<vmem>>, vector<1x16xf32>,
        %swap3A_398 = vector.shape_cast %swap3A_397 : vector<1x16xf32> to vector<16xf32>
        %swap3A_399 = vector.shape_cast %get3A_394 : vector<16xf32> to vector<1x16xf32>
        tpu.vector_store %arg5[%swap3A_395, %swap3A_396], %swap3A_399 {strides = array<i32>} : memref<80x128xf32, #tpu.memory_space<vmem>>, vector<1x16xf32>,
        %mul3A_400 = arith.constant 8 : i32
        %mul3A_401 = arith.muli %scan3A_360, %mul3A_400 : i32
        %add3A_402 = arith.constant 3 : i32
        %add3A_403 = arith.addi %mul3A_401, %add3A_402 : i32
        %get3A_404 = arith.index_cast %add3A_403 : i32 to index
        %get3A_405 = arith.constant 0 : index
        %get3A_406 = tpu.vector_load %arg4[%get3A_404, %get3A_405] {strides = array<i32>} : memref<640x16xf32, #tpu.memory_space<vmem>>, vector<1x16xf32>,
        %get3A_407 = vector.shape_cast %get3A_406 : vector<1x16xf32> to vector<16xf32>
        %swap3A_408 = arith.index_cast %scan3A_360 : i32 to index
        %swap3A_409 = arith.constant 48 : index
        %swap3A_410 = tpu.vector_load %arg5[%swap3A_408, %swap3A_409] {strides = array<i32>} : memref<80x128xf32, #tpu.memory_space<vmem>>, vector<1x16xf32>,
        %swap3A_411 = vector.shape_cast %swap3A_410 : vector<1x16xf32> to vector<16xf32>
        %swap3A_412 = vector.shape_cast %get3A_407 : vector<16xf32> to vector<1x16xf32>
        tpu.vector_store %arg5[%swap3A_408, %swap3A_409], %swap3A_412 {strides = array<i32>} : memref<80x128xf32, #tpu.memory_space<vmem>>, vector<1x16xf32>,
        %mul3A_413 = arith.constant 8 : i32
        %mul3A_414 = arith.muli %scan3A_360, %mul3A_413 : i32
        %add3A_415 = arith.constant 4 : i32
        %add3A_416 = arith.addi %mul3A_414, %add3A_415 : i32
        %get3A_417 = arith.index_cast %add3A_416 : i32 to index
        %get3A_418 = arith.constant 0 : index
        %get3A_419 = tpu.vector_load %arg4[%get3A_417, %get3A_418] {strides = array<i32>} : memref<640x16xf32, #tpu.memory_space<vmem>>, vector<1x16xf32>,
        %get3A_420 = vector.shape_cast %get3A_419 : vector<1x16xf32> to vector<16xf32>
        %swap3A_421 = arith.index_cast %scan3A_360 : i32 to index
        %swap3A_422 = arith.constant 64 : index
        %swap3A_423 = tpu.vector_load %arg5[%swap3A_421, %swap3A_422] {strides = array<i32>} : memref<80x128xf32, #tpu.memory_space<vmem>>, vector<1x16xf32>,
        %swap3A_424 = vector.shape_cast %swap3A_423 : vector<1x16xf32> to vector<16xf32>
        %swap3A_425 = vector.shape_cast %get3A_420 : vector<16xf32> to vector<1x16xf32>
        tpu.vector_store %arg5[%swap3A_421, %swap3A_422], %swap3A_425 {strides = array<i32>} : memref<80x128xf32, #tpu.memory_space<vmem>>, vector<1x16xf32>,
        %mul3A_426 = arith.constant 8 : i32
        %mul3A_427 = arith.muli %scan3A_360, %mul3A_426 : i32
        %add3A_428 = arith.constant 5 : i32
        %add3A_429 = arith.addi %mul3A_427, %add3A_428 : i32
        %get3A_430 = arith.index_cast %add3A_429 : i32 to index
        %get3A_431 = arith.constant 0 : index
        %get3A_432 = tpu.vector_load %arg4[%get3A_430, %get3A_431] {strides = array<i32>} : memref<640x16xf32, #tpu.memory_space<vmem>>, vector<1x16xf32>,
        %get3A_433 = vector.shape_cast %get3A_432 : vector<1x16xf32> to vector<16xf32>
        %swap3A_434 = arith.index_cast %scan3A_360 : i32 to index
        %swap3A_435 = arith.constant 80 : index
        %swap3A_436 = tpu.vector_load %arg5[%swap3A_434, %swap3A_435] {strides = array<i32>} : memref<80x128xf32, #tpu.memory_space<vmem>>, vector<1x16xf32>,
        %swap3A_437 = vector.shape_cast %swap3A_436 : vector<1x16xf32> to vector<16xf32>
        %swap3A_438 = vector.shape_cast %get3A_433 : vector<16xf32> to vector<1x16xf32>
        tpu.vector_store %arg5[%swap3A_434, %swap3A_435], %swap3A_438 {strides = array<i32>} : memref<80x128xf32, #tpu.memory_space<vmem>>, vector<1x16xf32>,
        %mul3A_439 = arith.constant 8 : i32
        %mul3A_440 = arith.muli %scan3A_360, %mul3A_439 : i32
        %add3A_441 = arith.constant 6 : i32
        %add3A_442 = arith.addi %mul3A_440, %add3A_441 : i32
        %get3A_443 = arith.index_cast %add3A_442 : i32 to index
        %get3A_444 = arith.constant 0 : index
        %get3A_445 = tpu.vector_load %arg4[%get3A_443, %get3A_444] {strides = array<i32>} : memref<640x16xf32, #tpu.memory_space<vmem>>, vector<1x16xf32>,
        %get3A_446 = vector.shape_cast %get3A_445 : vector<1x16xf32> to vector<16xf32>
        %swap3A_447 = arith.index_cast %scan3A_360 : i32 to index
        %swap3A_448 = arith.constant 96 : index
        %swap3A_449 = tpu.vector_load %arg5[%swap3A_447, %swap3A_448] {strides = array<i32>} : memref<80x128xf32, #tpu.memory_space<vmem>>, vector<1x16xf32>,
        %swap3A_450 = vector.shape_cast %swap3A_449 : vector<1x16xf32> to vector<16xf32>
        %swap3A_451 = vector.shape_cast %get3A_446 : vector<16xf32> to vector<1x16xf32>
        tpu.vector_store %arg5[%swap3A_447, %swap3A_448], %swap3A_451 {strides = array<i32>} : memref<80x128xf32, #tpu.memory_space<vmem>>, vector<1x16xf32>,
        %mul3A_452 = arith.constant 8 : i32
        %mul3A_453 = arith.muli %scan3A_360, %mul3A_452 : i32
        %add3A_454 = arith.constant 7 : i32
        %add3A_455 = arith.addi %mul3A_453, %add3A_454 : i32
        %get3A_456 = arith.index_cast %add3A_455 : i32 to index
        %get3A_457 = arith.constant 0 : index
        %get3A_458 = tpu.vector_load %arg4[%get3A_456, %get3A_457] {strides = array<i32>} : memref<640x16xf32, #tpu.memory_space<vmem>>, vector<1x16xf32>,
        %get3A_459 = vector.shape_cast %get3A_458 : vector<1x16xf32> to vector<16xf32>
        %swap3A_460 = arith.index_cast %scan3A_360 : i32 to index
        %swap3A_461 = arith.constant 112 : index
        %swap3A_462 = tpu.vector_load %arg5[%swap3A_460, %swap3A_461] {strides = array<i32>} : memref<80x128xf32, #tpu.memory_space<vmem>>, vector<1x16xf32>,
        %swap3A_463 = vector.shape_cast %swap3A_462 : vector<1x16xf32> to vector<16xf32>
        %swap3A_464 = vector.shape_cast %get3A_459 : vector<16xf32> to vector<1x16xf32>
        tpu.vector_store %arg5[%swap3A_460, %swap3A_461], %swap3A_464 {strides = array<i32>} : memref<80x128xf32, #tpu.memory_space<vmem>>, vector<1x16xf32>,
      }
      %scan3A_43 = arith.constant 80 : i32
      "tpu.region"() ({
        %run_scoped3A = tpu.sem_alloc : memref<!tpu.dma_semaphore, #tpu.memory_space<semaphore_mem>>
        %dma_start3A = arith.constant 0 : i32
        %dma_start3A_44 = tpu.memref_slice %arg3[%multiple_of3A_38, %dma_start3A] : memref<400000x128xf32, #tpu.memory_space<hbm>> -> memref<80x128xf32, #tpu.memory_space<hbm>>
        %dma_start3A_45 = arith.constant 0 : i32
        %dma_start3A_46 = tpu.memref_slice %arg3[%multiple_of3A_38, %dma_start3A_45] : memref<400000x128xf32, #tpu.memory_space<hbm>> -> memref<80x128xf32, #tpu.memory_space<hbm>>
        tpu.enqueue_dma source(%arg5 : memref<80x128xf32, #tpu.memory_space<vmem>>) target(%dma_start3A_46 : memref<80x128xf32, #tpu.memory_space<hbm>>) target_semaphore(%run_scoped3A : memref<!tpu.dma_semaphore, #tpu.memory_space<semaphore_mem>>)
        %dma_wait3A = arith.constant 0 : i32
        %dma_wait3A_47 = tpu.memref_slice %arg3[%multiple_of3A_38, %dma_wait3A] : memref<400000x128xf32, #tpu.memory_space<hbm>> -> memref<80x128xf32, #tpu.memory_space<hbm>>
        %dma_wait3A_48 = arith.constant 0 : i32
        %dma_wait3A_49 = tpu.memref_slice %arg3[%multiple_of3A_38, %dma_wait3A_48] : memref<400000x128xf32, #tpu.memory_space<hbm>> -> memref<80x128xf32, #tpu.memory_space<hbm>>
        tpu.wait_dma2 semaphore(%run_scoped3A : memref<!tpu.dma_semaphore, #tpu.memory_space<semaphore_mem>>) src(%arg5 : memref<80x128xf32, #tpu.memory_space<vmem>>) dst(%dma_wait3A_49 : memref<80x128xf32, #tpu.memory_space<hbm>>)
        tpu.yield
      }) : () -> ()
    }
    %while3A_29 = arith.constant 1 : i32
    scf.for %while3A_30 = %while3A_27 to %while3A_23 step %while3A_29  : i32 {
      %mul3A_31 = arith.constant 32 : i32
      %mul3A_32 = arith.muli %while3A_30, %mul3A_31 : i32
      %add3A_33 = arith.addi %add3A, %mul3A_32 : i32
      %mul3A_34 = arith.constant 640 : i32
      %mul3A_35 = arith.muli %add3A_33, %mul3A_34 : i32
      %multiple_of3A = tpu.assume_multiple %mul3A_35, 640 : i32
      %mul3A_36 = arith.constant 80 : i32
      %mul3A_37 = arith.muli %add3A_33, %mul3A_36 : i32
      %multiple_of3A_38 = tpu.assume_multiple %mul3A_37, 80 : i32
      "tpu.region"() ({
        %run_scoped3A = tpu.sem_alloc : memref<!tpu.dma_semaphore, #tpu.memory_space<semaphore_mem>>
        %dma_start3A = arith.constant 0 : i32
        %dma_start3A_44 = tpu.memref_slice %arg2[%multiple_of3A, %dma_start3A] : memref<3200000x16xf32, #tpu.memory_space<hbm>> -> memref<640x16xf32, #tpu.memory_space<hbm>>
        %dma_start3A_45 = arith.constant 0 : i32
        %dma_start3A_46 = tpu.memref_slice %arg2[%multiple_of3A, %dma_start3A_45] : memref<3200000x16xf32, #tpu.memory_space<hbm>> -> memref<640x16xf32, #tpu.memory_space<hbm>>
        tpu.enqueue_dma source(%dma_start3A_46 : memref<640x16xf32, #tpu.memory_space<hbm>>) target(%arg4 : memref<640x16xf32, #tpu.memory_space<vmem>>) target_semaphore(%run_scoped3A : memref<!tpu.dma_semaphore, #tpu.memory_space<semaphore_mem>>)
        %dma_wait3A = arith.constant 0 : i32
        %dma_wait3A_47 = tpu.memref_slice %arg2[%multiple_of3A, %dma_wait3A] : memref<3200000x16xf32, #tpu.memory_space<hbm>> -> memref<640x16xf32, #tpu.memory_space<hbm>>
        %dma_wait3A_48 = arith.constant 0 : i32
        %dma_wait3A_49 = tpu.memref_slice %arg2[%multiple_of3A, %dma_wait3A_48] : memref<3200000x16xf32, #tpu.memory_space<hbm>> -> memref<640x16xf32, #tpu.memory_space<hbm>>
        tpu.wait_dma2 semaphore(%run_scoped3A : memref<!tpu.dma_semaphore, #tpu.memory_space<semaphore_mem>>) src(%dma_wait3A_49 : memref<640x16xf32, #tpu.memory_space<hbm>>) dst(%arg4 : memref<640x16xf32, #tpu.memory_space<vmem>>)
        tpu.yield
      }) : () -> ()
      %scan3A = arith.constant 0 : i32
      %scan3A_39 = arith.constant 0 : i32
      %scan3A_40 = arith.constant 80 : i32
      %scan3A_41 = arith.addi %scan3A_39, %scan3A_40 : i32
      %scan3A_42 = arith.constant 4 : i32
      scf.for %scan3A_44 = %scan3A_39 to %scan3A_41 step %scan3A_42  : i32 {
        %mul3A_45 = arith.constant 8 : i32
        %mul3A_46 = arith.muli %scan3A_44, %mul3A_45 : i32
        %add3A_47 = arith.constant 0 : i32
        %add3A_48 = arith.addi %mul3A_46, %add3A_47 : i32
        %get3A = arith.index_cast %add3A_48 : i32 to index
        %get3A_49 = arith.constant 0 : index
        %get3A_50 = tpu.vector_load %arg4[%get3A, %get3A_49] {strides = array<i32>} : memref<640x16xf32, #tpu.memory_space<vmem>>, vector<1x16xf32>,
        %get3A_51 = vector.shape_cast %get3A_50 : vector<1x16xf32> to vector<16xf32>
        %swap3A = arith.index_cast %scan3A_44 : i32 to index
        %swap3A_52 = arith.constant 0 : index
        %swap3A_53 = tpu.vector_load %arg5[%swap3A, %swap3A_52] {strides = array<i32>} : memref<80x128xf32, #tpu.memory_space<vmem>>, vector<1x16xf32>,
        %swap3A_54 = vector.shape_cast %swap3A_53 : vector<1x16xf32> to vector<16xf32>
        %swap3A_55 = vector.shape_cast %get3A_51 : vector<16xf32> to vector<1x16xf32>
        tpu.vector_store %arg5[%swap3A, %swap3A_52], %swap3A_55 {strides = array<i32>} : memref<80x128xf32, #tpu.memory_space<vmem>>, vector<1x16xf32>,
        %mul3A_56 = arith.constant 8 : i32
        %mul3A_57 = arith.muli %scan3A_44, %mul3A_56 : i32
        %add3A_58 = arith.constant 1 : i32
        %add3A_59 = arith.addi %mul3A_57, %add3A_58 : i32
        %get3A_60 = arith.index_cast %add3A_59 : i32 to index
        %get3A_61 = arith.constant 0 : index
        %get3A_62 = tpu.vector_load %arg4[%get3A_60, %get3A_61] {strides = array<i32>} : memref<640x16xf32, #tpu.memory_space<vmem>>, vector<1x16xf32>,
        %get3A_63 = vector.shape_cast %get3A_62 : vector<1x16xf32> to vector<16xf32>
        %swap3A_64 = arith.index_cast %scan3A_44 : i32 to index
        %swap3A_65 = arith.constant 16 : index
        %swap3A_66 = tpu.vector_load %arg5[%swap3A_64, %swap3A_65] {strides = array<i32>} : memref<80x128xf32, #tpu.memory_space<vmem>>, vector<1x16xf32>,
        %swap3A_67 = vector.shape_cast %swap3A_66 : vector<1x16xf32> to vector<16xf32>
        %swap3A_68 = vector.shape_cast %get3A_63 : vector<16xf32> to vector<1x16xf32>
        tpu.vector_store %arg5[%swap3A_64, %swap3A_65], %swap3A_68 {strides = array<i32>} : memref<80x128xf32, #tpu.memory_space<vmem>>, vector<1x16xf32>,
        %mul3A_69 = arith.constant 8 : i32
        %mul3A_70 = arith.muli %scan3A_44, %mul3A_69 : i32
        %add3A_71 = arith.constant 2 : i32
        %add3A_72 = arith.addi %mul3A_70, %add3A_71 : i32
        %get3A_73 = arith.index_cast %add3A_72 : i32 to index
        %get3A_74 = arith.constant 0 : index
        %get3A_75 = tpu.vector_load %arg4[%get3A_73, %get3A_74] {strides = array<i32>} : memref<640x16xf32, #tpu.memory_space<vmem>>, vector<1x16xf32>,
        %get3A_76 = vector.shape_cast %get3A_75 : vector<1x16xf32> to vector<16xf32>
        %swap3A_77 = arith.index_cast %scan3A_44 : i32 to index
        %swap3A_78 = arith.constant 32 : index
        %swap3A_79 = tpu.vector_load %arg5[%swap3A_77, %swap3A_78] {strides = array<i32>} : memref<80x128xf32, #tpu.memory_space<vmem>>, vector<1x16xf32>,
        %swap3A_80 = vector.shape_cast %swap3A_79 : vector<1x16xf32> to vector<16xf32>
        %swap3A_81 = vector.shape_cast %get3A_76 : vector<16xf32> to vector<1x16xf32>
        tpu.vector_store %arg5[%swap3A_77, %swap3A_78], %swap3A_81 {strides = array<i32>} : memref<80x128xf32, #tpu.memory_space<vmem>>, vector<1x16xf32>,
        %mul3A_82 = arith.constant 8 : i32
        %mul3A_83 = arith.muli %scan3A_44, %mul3A_82 : i32
        %add3A_84 = arith.constant 3 : i32
        %add3A_85 = arith.addi %mul3A_83, %add3A_84 : i32
        %get3A_86 = arith.index_cast %add3A_85 : i32 to index
        %get3A_87 = arith.constant 0 : index
        %get3A_88 = tpu.vector_load %arg4[%get3A_86, %get3A_87] {strides = array<i32>} : memref<640x16xf32, #tpu.memory_space<vmem>>, vector<1x16xf32>,
        %get3A_89 = vector.shape_cast %get3A_88 : vector<1x16xf32> to vector<16xf32>
        %swap3A_90 = arith.index_cast %scan3A_44 : i32 to index
        %swap3A_91 = arith.constant 48 : index
        %swap3A_92 = tpu.vector_load %arg5[%swap3A_90, %swap3A_91] {strides = array<i32>} : memref<80x128xf32, #tpu.memory_space<vmem>>, vector<1x16xf32>,
        %swap3A_93 = vector.shape_cast %swap3A_92 : vector<1x16xf32> to vector<16xf32>
        %swap3A_94 = vector.shape_cast %get3A_89 : vector<16xf32> to vector<1x16xf32>
        tpu.vector_store %arg5[%swap3A_90, %swap3A_91], %swap3A_94 {strides = array<i32>} : memref<80x128xf32, #tpu.memory_space<vmem>>, vector<1x16xf32>,
        %mul3A_95 = arith.constant 8 : i32
        %mul3A_96 = arith.muli %scan3A_44, %mul3A_95 : i32
        %add3A_97 = arith.constant 4 : i32
        %add3A_98 = arith.addi %mul3A_96, %add3A_97 : i32
        %get3A_99 = arith.index_cast %add3A_98 : i32 to index
        %get3A_100 = arith.constant 0 : index
        %get3A_101 = tpu.vector_load %arg4[%get3A_99, %get3A_100] {strides = array<i32>} : memref<640x16xf32, #tpu.memory_space<vmem>>, vector<1x16xf32>,
        %get3A_102 = vector.shape_cast %get3A_101 : vector<1x16xf32> to vector<16xf32>
        %swap3A_103 = arith.index_cast %scan3A_44 : i32 to index
        %swap3A_104 = arith.constant 64 : index
        %swap3A_105 = tpu.vector_load %arg5[%swap3A_103, %swap3A_104] {strides = array<i32>} : memref<80x128xf32, #tpu.memory_space<vmem>>, vector<1x16xf32>,
        %swap3A_106 = vector.shape_cast %swap3A_105 : vector<1x16xf32> to vector<16xf32>
        %swap3A_107 = vector.shape_cast %get3A_102 : vector<16xf32> to vector<1x16xf32>
        tpu.vector_store %arg5[%swap3A_103, %swap3A_104], %swap3A_107 {strides = array<i32>} : memref<80x128xf32, #tpu.memory_space<vmem>>, vector<1x16xf32>,
        %mul3A_108 = arith.constant 8 : i32
        %mul3A_109 = arith.muli %scan3A_44, %mul3A_108 : i32
        %add3A_110 = arith.constant 5 : i32
        %add3A_111 = arith.addi %mul3A_109, %add3A_110 : i32
        %get3A_112 = arith.index_cast %add3A_111 : i32 to index
        %get3A_113 = arith.constant 0 : index
        %get3A_114 = tpu.vector_load %arg4[%get3A_112, %get3A_113] {strides = array<i32>} : memref<640x16xf32, #tpu.memory_space<vmem>>, vector<1x16xf32>,
        %get3A_115 = vector.shape_cast %get3A_114 : vector<1x16xf32> to vector<16xf32>
        %swap3A_116 = arith.index_cast %scan3A_44 : i32 to index
        %swap3A_117 = arith.constant 80 : index
        %swap3A_118 = tpu.vector_load %arg5[%swap3A_116, %swap3A_117] {strides = array<i32>} : memref<80x128xf32, #tpu.memory_space<vmem>>, vector<1x16xf32>,
        %swap3A_119 = vector.shape_cast %swap3A_118 : vector<1x16xf32> to vector<16xf32>
        %swap3A_120 = vector.shape_cast %get3A_115 : vector<16xf32> to vector<1x16xf32>
        tpu.vector_store %arg5[%swap3A_116, %swap3A_117], %swap3A_120 {strides = array<i32>} : memref<80x128xf32, #tpu.memory_space<vmem>>, vector<1x16xf32>,
        %mul3A_121 = arith.constant 8 : i32
        %mul3A_122 = arith.muli %scan3A_44, %mul3A_121 : i32
        %add3A_123 = arith.constant 6 : i32
        %add3A_124 = arith.addi %mul3A_122, %add3A_123 : i32
        %get3A_125 = arith.index_cast %add3A_124 : i32 to index
        %get3A_126 = arith.constant 0 : index
        %get3A_127 = tpu.vector_load %arg4[%get3A_125, %get3A_126] {strides = array<i32>} : memref<640x16xf32, #tpu.memory_space<vmem>>, vector<1x16xf32>,
        %get3A_128 = vector.shape_cast %get3A_127 : vector<1x16xf32> to vector<16xf32>
        %swap3A_129 = arith.index_cast %scan3A_44 : i32 to index
        %swap3A_130 = arith.constant 96 : index
        %swap3A_131 = tpu.vector_load %arg5[%swap3A_129, %swap3A_130] {strides = array<i32>} : memref<80x128xf32, #tpu.memory_space<vmem>>, vector<1x16xf32>,
        %swap3A_132 = vector.shape_cast %swap3A_131 : vector<1x16xf32> to vector<16xf32>
        %swap3A_133 = vector.shape_cast %get3A_128 : vector<16xf32> to vector<1x16xf32>
        tpu.vector_store %arg5[%swap3A_129, %swap3A_130], %swap3A_133 {strides = array<i32>} : memref<80x128xf32, #tpu.memory_space<vmem>>, vector<1x16xf32>,
        %mul3A_134 = arith.constant 8 : i32
        %mul3A_135 = arith.muli %scan3A_44, %mul3A_134 : i32
        %add3A_136 = arith.constant 7 : i32
        %add3A_137 = arith.addi %mul3A_135, %add3A_136 : i32
        %get3A_138 = arith.index_cast %add3A_137 : i32 to index
        %get3A_139 = arith.constant 0 : index
        %get3A_140 = tpu.vector_load %arg4[%get3A_138, %get3A_139] {strides = array<i32>} : memref<640x16xf32, #tpu.memory_space<vmem>>, vector<1x16xf32>,
        %get3A_141 = vector.shape_cast %get3A_140 : vector<1x16xf32> to vector<16xf32>
        %swap3A_142 = arith.index_cast %scan3A_44 : i32 to index
        %swap3A_143 = arith.constant 112 : index
        %swap3A_144 = tpu.vector_load %arg5[%swap3A_142, %swap3A_143] {strides = array<i32>} : memref<80x128xf32, #tpu.memory_space<vmem>>, vector<1x16xf32>,
        %swap3A_145 = vector.shape_cast %swap3A_144 : vector<1x16xf32> to vector<16xf32>
        %swap3A_146 = vector.shape_cast %get3A_141 : vector<16xf32> to vector<1x16xf32>
        tpu.vector_store %arg5[%swap3A_142, %swap3A_143], %swap3A_146 {strides = array<i32>} : memref<80x128xf32, #tpu.memory_space<vmem>>, vector<1x16xf32>,
        %scan3A_147 = arith.constant 1 : i32
        %scan3A_148 = arith.addi %scan3A_44, %scan3A_147 : i32
        %mul3A_149 = arith.constant 8 : i32
        %mul3A_150 = arith.muli %scan3A_148, %mul3A_149 : i32
        %add3A_151 = arith.constant 0 : i32
        %add3A_152 = arith.addi %mul3A_150, %add3A_151 : i32
        %get3A_153 = arith.index_cast %add3A_152 : i32 to index
        %get3A_154 = arith.constant 0 : index
        %get3A_155 = tpu.vector_load %arg4[%get3A_153, %get3A_154] {strides = array<i32>} : memref<640x16xf32, #tpu.memory_space<vmem>>, vector<1x16xf32>,
        %get3A_156 = vector.shape_cast %get3A_155 : vector<1x16xf32> to vector<16xf32>
        %swap3A_157 = arith.index_cast %scan3A_148 : i32 to index
        %swap3A_158 = arith.constant 0 : index
        %swap3A_159 = tpu.vector_load %arg5[%swap3A_157, %swap3A_158] {strides = array<i32>} : memref<80x128xf32, #tpu.memory_space<vmem>>, vector<1x16xf32>,
        %swap3A_160 = vector.shape_cast %swap3A_159 : vector<1x16xf32> to vector<16xf32>
        %swap3A_161 = vector.shape_cast %get3A_156 : vector<16xf32> to vector<1x16xf32>
        tpu.vector_store %arg5[%swap3A_157, %swap3A_158], %swap3A_161 {strides = array<i32>} : memref<80x128xf32, #tpu.memory_space<vmem>>, vector<1x16xf32>,
        %mul3A_162 = arith.constant 8 : i32
        %mul3A_163 = arith.muli %scan3A_148, %mul3A_162 : i32
        %add3A_164 = arith.constant 1 : i32
        %add3A_165 = arith.addi %mul3A_163, %add3A_164 : i32
        %get3A_166 = arith.index_cast %add3A_165 : i32 to index
        %get3A_167 = arith.constant 0 : index
        %get3A_168 = tpu.vector_load %arg4[%get3A_166, %get3A_167] {strides = array<i32>} : memref<640x16xf32, #tpu.memory_space<vmem>>, vector<1x16xf32>,
        %get3A_169 = vector.shape_cast %get3A_168 : vector<1x16xf32> to vector<16xf32>
        %swap3A_170 = arith.index_cast %scan3A_148 : i32 to index
        %swap3A_171 = arith.constant 16 : index
        %swap3A_172 = tpu.vector_load %arg5[%swap3A_170, %swap3A_171] {strides = array<i32>} : memref<80x128xf32, #tpu.memory_space<vmem>>, vector<1x16xf32>,
        %swap3A_173 = vector.shape_cast %swap3A_172 : vector<1x16xf32> to vector<16xf32>
        %swap3A_174 = vector.shape_cast %get3A_169 : vector<16xf32> to vector<1x16xf32>
        tpu.vector_store %arg5[%swap3A_170, %swap3A_171], %swap3A_174 {strides = array<i32>} : memref<80x128xf32, #tpu.memory_space<vmem>>, vector<1x16xf32>,
        %mul3A_175 = arith.constant 8 : i32
        %mul3A_176 = arith.muli %scan3A_148, %mul3A_175 : i32
        %add3A_177 = arith.constant 2 : i32
        %add3A_178 = arith.addi %mul3A_176, %add3A_177 : i32
        %get3A_179 = arith.index_cast %add3A_178 : i32 to index
        %get3A_180 = arith.constant 0 : index
        %get3A_181 = tpu.vector_load %arg4[%get3A_179, %get3A_180] {strides = array<i32>} : memref<640x16xf32, #tpu.memory_space<vmem>>, vector<1x16xf32>,
        %get3A_182 = vector.shape_cast %get3A_181 : vector<1x16xf32> to vector<16xf32>
        %swap3A_183 = arith.index_cast %scan3A_148 : i32 to index
        %swap3A_184 = arith.constant 32 : index
        %swap3A_185 = tpu.vector_load %arg5[%swap3A_183, %swap3A_184] {strides = array<i32>} : memref<80x128xf32, #tpu.memory_space<vmem>>, vector<1x16xf32>,
        %swap3A_186 = vector.shape_cast %swap3A_185 : vector<1x16xf32> to vector<16xf32>
        %swap3A_187 = vector.shape_cast %get3A_182 : vector<16xf32> to vector<1x16xf32>
        tpu.vector_store %arg5[%swap3A_183, %swap3A_184], %swap3A_187 {strides = array<i32>} : memref<80x128xf32, #tpu.memory_space<vmem>>, vector<1x16xf32>,
        %mul3A_188 = arith.constant 8 : i32
        %mul3A_189 = arith.muli %scan3A_148, %mul3A_188 : i32
        %add3A_190 = arith.constant 3 : i32
        %add3A_191 = arith.addi %mul3A_189, %add3A_190 : i32
        %get3A_192 = arith.index_cast %add3A_191 : i32 to index
        %get3A_193 = arith.constant 0 : index
        %get3A_194 = tpu.vector_load %arg4[%get3A_192, %get3A_193] {strides = array<i32>} : memref<640x16xf32, #tpu.memory_space<vmem>>, vector<1x16xf32>,
        %get3A_195 = vector.shape_cast %get3A_194 : vector<1x16xf32> to vector<16xf32>
        %swap3A_196 = arith.index_cast %scan3A_148 : i32 to index
        %swap3A_197 = arith.constant 48 : index
        %swap3A_198 = tpu.vector_load %arg5[%swap3A_196, %swap3A_197] {strides = array<i32>} : memref<80x128xf32, #tpu.memory_space<vmem>>, vector<1x16xf32>,
        %swap3A_199 = vector.shape_cast %swap3A_198 : vector<1x16xf32> to vector<16xf32>
        %swap3A_200 = vector.shape_cast %get3A_195 : vector<16xf32> to vector<1x16xf32>
        tpu.vector_store %arg5[%swap3A_196, %swap3A_197], %swap3A_200 {strides = array<i32>} : memref<80x128xf32, #tpu.memory_space<vmem>>, vector<1x16xf32>,
        %mul3A_201 = arith.constant 8 : i32
        %mul3A_202 = arith.muli %scan3A_148, %mul3A_201 : i32
        %add3A_203 = arith.constant 4 : i32
        %add3A_204 = arith.addi %mul3A_202, %add3A_203 : i32
        %get3A_205 = arith.index_cast %add3A_204 : i32 to index
        %get3A_206 = arith.constant 0 : index
        %get3A_207 = tpu.vector_load %arg4[%get3A_205, %get3A_206] {strides = array<i32>} : memref<640x16xf32, #tpu.memory_space<vmem>>, vector<1x16xf32>,
        %get3A_208 = vector.shape_cast %get3A_207 : vector<1x16xf32> to vector<16xf32>
        %swap3A_209 = arith.index_cast %scan3A_148 : i32 to index
        %swap3A_210 = arith.constant 64 : index
        %swap3A_211 = tpu.vector_load %arg5[%swap3A_209, %swap3A_210] {strides = array<i32>} : memref<80x128xf32, #tpu.memory_space<vmem>>, vector<1x16xf32>,
        %swap3A_212 = vector.shape_cast %swap3A_211 : vector<1x16xf32> to vector<16xf32>
        %swap3A_213 = vector.shape_cast %get3A_208 : vector<16xf32> to vector<1x16xf32>
        tpu.vector_store %arg5[%swap3A_209, %swap3A_210], %swap3A_213 {strides = array<i32>} : memref<80x128xf32, #tpu.memory_space<vmem>>, vector<1x16xf32>,
        %mul3A_214 = arith.constant 8 : i32
        %mul3A_215 = arith.muli %scan3A_148, %mul3A_214 : i32
        %add3A_216 = arith.constant 5 : i32
        %add3A_217 = arith.addi %mul3A_215, %add3A_216 : i32
        %get3A_218 = arith.index_cast %add3A_217 : i32 to index
        %get3A_219 = arith.constant 0 : index
        %get3A_220 = tpu.vector_load %arg4[%get3A_218, %get3A_219] {strides = array<i32>} : memref<640x16xf32, #tpu.memory_space<vmem>>, vector<1x16xf32>,
        %get3A_221 = vector.shape_cast %get3A_220 : vector<1x16xf32> to vector<16xf32>
        %swap3A_222 = arith.index_cast %scan3A_148 : i32 to index
        %swap3A_223 = arith.constant 80 : index
        %swap3A_224 = tpu.vector_load %arg5[%swap3A_222, %swap3A_223] {strides = array<i32>} : memref<80x128xf32, #tpu.memory_space<vmem>>, vector<1x16xf32>,
        %swap3A_225 = vector.shape_cast %swap3A_224 : vector<1x16xf32> to vector<16xf32>
        %swap3A_226 = vector.shape_cast %get3A_221 : vector<16xf32> to vector<1x16xf32>
        tpu.vector_store %arg5[%swap3A_222, %swap3A_223], %swap3A_226 {strides = array<i32>} : memref<80x128xf32, #tpu.memory_space<vmem>>, vector<1x16xf32>,
        %mul3A_227 = arith.constant 8 : i32
        %mul3A_228 = arith.muli %scan3A_148, %mul3A_227 : i32
        %add3A_229 = arith.constant 6 : i32
        %add3A_230 = arith.addi %mul3A_228, %add3A_229 : i32
        %get3A_231 = arith.index_cast %add3A_230 : i32 to index
        %get3A_232 = arith.constant 0 : index
        %get3A_233 = tpu.vector_load %arg4[%get3A_231, %get3A_232] {strides = array<i32>} : memref<640x16xf32, #tpu.memory_space<vmem>>, vector<1x16xf32>,
        %get3A_234 = vector.shape_cast %get3A_233 : vector<1x16xf32> to vector<16xf32>
        %swap3A_235 = arith.index_cast %scan3A_148 : i32 to index
        %swap3A_236 = arith.constant 96 : index
        %swap3A_237 = tpu.vector_load %arg5[%swap3A_235, %swap3A_236] {strides = array<i32>} : memref<80x128xf32, #tpu.memory_space<vmem>>, vector<1x16xf32>,
        %swap3A_238 = vector.shape_cast %swap3A_237 : vector<1x16xf32> to vector<16xf32>
        %swap3A_239 = vector.shape_cast %get3A_234 : vector<16xf32> to vector<1x16xf32>
        tpu.vector_store %arg5[%swap3A_235, %swap3A_236], %swap3A_239 {strides = array<i32>} : memref<80x128xf32, #tpu.memory_space<vmem>>, vector<1x16xf32>,
        %mul3A_240 = arith.constant 8 : i32
        %mul3A_241 = arith.muli %scan3A_148, %mul3A_240 : i32
        %add3A_242 = arith.constant 7 : i32
        %add3A_243 = arith.addi %mul3A_241, %add3A_242 : i32
        %get3A_244 = arith.index_cast %add3A_243 : i32 to index
        %get3A_245 = arith.constant 0 : index
        %get3A_246 = tpu.vector_load %arg4[%get3A_244, %get3A_245] {strides = array<i32>} : memref<640x16xf32, #tpu.memory_space<vmem>>, vector<1x16xf32>,
        %get3A_247 = vector.shape_cast %get3A_246 : vector<1x16xf32> to vector<16xf32>
        %swap3A_248 = arith.index_cast %scan3A_148 : i32 to index
        %swap3A_249 = arith.constant 112 : index
        %swap3A_250 = tpu.vector_load %arg5[%swap3A_248, %swap3A_249] {strides = array<i32>} : memref<80x128xf32, #tpu.memory_space<vmem>>, vector<1x16xf32>,
        %swap3A_251 = vector.shape_cast %swap3A_250 : vector<1x16xf32> to vector<16xf32>
        %swap3A_252 = vector.shape_cast %get3A_247 : vector<16xf32> to vector<1x16xf32>
        tpu.vector_store %arg5[%swap3A_248, %swap3A_249], %swap3A_252 {strides = array<i32>} : memref<80x128xf32, #tpu.memory_space<vmem>>, vector<1x16xf32>,
        %scan3A_253 = arith.constant 2 : i32
        %scan3A_254 = arith.addi %scan3A_44, %scan3A_253 : i32
        %mul3A_255 = arith.constant 8 : i32
        %mul3A_256 = arith.muli %scan3A_254, %mul3A_255 : i32
        %add3A_257 = arith.constant 0 : i32
        %add3A_258 = arith.addi %mul3A_256, %add3A_257 : i32
        %get3A_259 = arith.index_cast %add3A_258 : i32 to index
        %get3A_260 = arith.constant 0 : index
        %get3A_261 = tpu.vector_load %arg4[%get3A_259, %get3A_260] {strides = array<i32>} : memref<640x16xf32, #tpu.memory_space<vmem>>, vector<1x16xf32>,
        %get3A_262 = vector.shape_cast %get3A_261 : vector<1x16xf32> to vector<16xf32>
        %swap3A_263 = arith.index_cast %scan3A_254 : i32 to index
        %swap3A_264 = arith.constant 0 : index
        %swap3A_265 = tpu.vector_load %arg5[%swap3A_263, %swap3A_264] {strides = array<i32>} : memref<80x128xf32, #tpu.memory_space<vmem>>, vector<1x16xf32>,
        %swap3A_266 = vector.shape_cast %swap3A_265 : vector<1x16xf32> to vector<16xf32>
        %swap3A_267 = vector.shape_cast %get3A_262 : vector<16xf32> to vector<1x16xf32>
        tpu.vector_store %arg5[%swap3A_263, %swap3A_264], %swap3A_267 {strides = array<i32>} : memref<80x128xf32, #tpu.memory_space<vmem>>, vector<1x16xf32>,
        %mul3A_268 = arith.constant 8 : i32
        %mul3A_269 = arith.muli %scan3A_254, %mul3A_268 : i32
        %add3A_270 = arith.constant 1 : i32
        %add3A_271 = arith.addi %mul3A_269, %add3A_270 : i32
        %get3A_272 = arith.index_cast %add3A_271 : i32 to index
        %get3A_273 = arith.constant 0 : index
        %get3A_274 = tpu.vector_load %arg4[%get3A_272, %get3A_273] {strides = array<i32>} : memref<640x16xf32, #tpu.memory_space<vmem>>, vector<1x16xf32>,
        %get3A_275 = vector.shape_cast %get3A_274 : vector<1x16xf32> to vector<16xf32>
        %swap3A_276 = arith.index_cast %scan3A_254 : i32 to index
        %swap3A_277 = arith.constant 16 : index
        %swap3A_278 = tpu.vector_load %arg5[%swap3A_276, %swap3A_277] {strides = array<i32>} : memref<80x128xf32, #tpu.memory_space<vmem>>, vector<1x16xf32>,
        %swap3A_279 = vector.shape_cast %swap3A_278 : vector<1x16xf32> to vector<16xf32>
        %swap3A_280 = vector.shape_cast %get3A_275 : vector<16xf32> to vector<1x16xf32>
        tpu.vector_store %arg5[%swap3A_276, %swap3A_277], %swap3A_280 {strides = array<i32>} : memref<80x128xf32, #tpu.memory_space<vmem>>, vector<1x16xf32>,
        %mul3A_281 = arith.constant 8 : i32
        %mul3A_282 = arith.muli %scan3A_254, %mul3A_281 : i32
        %add3A_283 = arith.constant 2 : i32
        %add3A_284 = arith.addi %mul3A_282, %add3A_283 : i32
        %get3A_285 = arith.index_cast %add3A_284 : i32 to index
        %get3A_286 = arith.constant 0 : index
        %get3A_287 = tpu.vector_load %arg4[%get3A_285, %get3A_286] {strides = array<i32>} : memref<640x16xf32, #tpu.memory_space<vmem>>, vector<1x16xf32>,
        %get3A_288 = vector.shape_cast %get3A_287 : vector<1x16xf32> to vector<16xf32>
        %swap3A_289 = arith.index_cast %scan3A_254 : i32 to index
        %swap3A_290 = arith.constant 32 : index
        %swap3A_291 = tpu.vector_load %arg5[%swap3A_289, %swap3A_290] {strides = array<i32>} : memref<80x128xf32, #tpu.memory_space<vmem>>, vector<1x16xf32>,
        %swap3A_292 = vector.shape_cast %swap3A_291 : vector<1x16xf32> to vector<16xf32>
        %swap3A_293 = vector.shape_cast %get3A_288 : vector<16xf32> to vector<1x16xf32>
        tpu.vector_store %arg5[%swap3A_289, %swap3A_290], %swap3A_293 {strides = array<i32>} : memref<80x128xf32, #tpu.memory_space<vmem>>, vector<1x16xf32>,
        %mul3A_294 = arith.constant 8 : i32
        %mul3A_295 = arith.muli %scan3A_254, %mul3A_294 : i32
        %add3A_296 = arith.constant 3 : i32
        %add3A_297 = arith.addi %mul3A_295, %add3A_296 : i32
        %get3A_298 = arith.index_cast %add3A_297 : i32 to index
        %get3A_299 = arith.constant 0 : index
        %get3A_300 = tpu.vector_load %arg4[%get3A_298, %get3A_299] {strides = array<i32>} : memref<640x16xf32, #tpu.memory_space<vmem>>, vector<1x16xf32>,
        %get3A_301 = vector.shape_cast %get3A_300 : vector<1x16xf32> to vector<16xf32>
        %swap3A_302 = arith.index_cast %scan3A_254 : i32 to index
        %swap3A_303 = arith.constant 48 : index
        %swap3A_304 = tpu.vector_load %arg5[%swap3A_302, %swap3A_303] {strides = array<i32>} : memref<80x128xf32, #tpu.memory_space<vmem>>, vector<1x16xf32>,
        %swap3A_305 = vector.shape_cast %swap3A_304 : vector<1x16xf32> to vector<16xf32>
        %swap3A_306 = vector.shape_cast %get3A_301 : vector<16xf32> to vector<1x16xf32>
        tpu.vector_store %arg5[%swap3A_302, %swap3A_303], %swap3A_306 {strides = array<i32>} : memref<80x128xf32, #tpu.memory_space<vmem>>, vector<1x16xf32>,
        %mul3A_307 = arith.constant 8 : i32
        %mul3A_308 = arith.muli %scan3A_254, %mul3A_307 : i32
        %add3A_309 = arith.constant 4 : i32
        %add3A_310 = arith.addi %mul3A_308, %add3A_309 : i32
        %get3A_311 = arith.index_cast %add3A_310 : i32 to index
        %get3A_312 = arith.constant 0 : index
        %get3A_313 = tpu.vector_load %arg4[%get3A_311, %get3A_312] {strides = array<i32>} : memref<640x16xf32, #tpu.memory_space<vmem>>, vector<1x16xf32>,
        %get3A_314 = vector.shape_cast %get3A_313 : vector<1x16xf32> to vector<16xf32>
        %swap3A_315 = arith.index_cast %scan3A_254 : i32 to index
        %swap3A_316 = arith.constant 64 : index
        %swap3A_317 = tpu.vector_load %arg5[%swap3A_315, %swap3A_316] {strides = array<i32>} : memref<80x128xf32, #tpu.memory_space<vmem>>, vector<1x16xf32>,
        %swap3A_318 = vector.shape_cast %swap3A_317 : vector<1x16xf32> to vector<16xf32>
        %swap3A_319 = vector.shape_cast %get3A_314 : vector<16xf32> to vector<1x16xf32>
        tpu.vector_store %arg5[%swap3A_315, %swap3A_316], %swap3A_319 {strides = array<i32>} : memref<80x128xf32, #tpu.memory_space<vmem>>, vector<1x16xf32>,
        %mul3A_320 = arith.constant 8 : i32
        %mul3A_321 = arith.muli %scan3A_254, %mul3A_320 : i32
        %add3A_322 = arith.constant 5 : i32
        %add3A_323 = arith.addi %mul3A_321, %add3A_322 : i32
        %get3A_324 = arith.index_cast %add3A_323 : i32 to index
        %get3A_325 = arith.constant 0 : index
        %get3A_326 = tpu.vector_load %arg4[%get3A_324, %get3A_325] {strides = array<i32>} : memref<640x16xf32, #tpu.memory_space<vmem>>, vector<1x16xf32>,
        %get3A_327 = vector.shape_cast %get3A_326 : vector<1x16xf32> to vector<16xf32>
        %swap3A_328 = arith.index_cast %scan3A_254 : i32 to index
        %swap3A_329 = arith.constant 80 : index
        %swap3A_330 = tpu.vector_load %arg5[%swap3A_328, %swap3A_329] {strides = array<i32>} : memref<80x128xf32, #tpu.memory_space<vmem>>, vector<1x16xf32>,
        %swap3A_331 = vector.shape_cast %swap3A_330 : vector<1x16xf32> to vector<16xf32>
        %swap3A_332 = vector.shape_cast %get3A_327 : vector<16xf32> to vector<1x16xf32>
        tpu.vector_store %arg5[%swap3A_328, %swap3A_329], %swap3A_332 {strides = array<i32>} : memref<80x128xf32, #tpu.memory_space<vmem>>, vector<1x16xf32>,
        %mul3A_333 = arith.constant 8 : i32
        %mul3A_334 = arith.muli %scan3A_254, %mul3A_333 : i32
        %add3A_335 = arith.constant 6 : i32
        %add3A_336 = arith.addi %mul3A_334, %add3A_335 : i32
        %get3A_337 = arith.index_cast %add3A_336 : i32 to index
        %get3A_338 = arith.constant 0 : index
        %get3A_339 = tpu.vector_load %arg4[%get3A_337, %get3A_338] {strides = array<i32>} : memref<640x16xf32, #tpu.memory_space<vmem>>, vector<1x16xf32>,
        %get3A_340 = vector.shape_cast %get3A_339 : vector<1x16xf32> to vector<16xf32>
        %swap3A_341 = arith.index_cast %scan3A_254 : i32 to index
        %swap3A_342 = arith.constant 96 : index
        %swap3A_343 = tpu.vector_load %arg5[%swap3A_341, %swap3A_342] {strides = array<i32>} : memref<80x128xf32, #tpu.memory_space<vmem>>, vector<1x16xf32>,
        %swap3A_344 = vector.shape_cast %swap3A_343 : vector<1x16xf32> to vector<16xf32>
        %swap3A_345 = vector.shape_cast %get3A_340 : vector<16xf32> to vector<1x16xf32>
        tpu.vector_store %arg5[%swap3A_341, %swap3A_342], %swap3A_345 {strides = array<i32>} : memref<80x128xf32, #tpu.memory_space<vmem>>, vector<1x16xf32>,
        %mul3A_346 = arith.constant 8 : i32
        %mul3A_347 = arith.muli %scan3A_254, %mul3A_346 : i32
        %add3A_348 = arith.constant 7 : i32
        %add3A_349 = arith.addi %mul3A_347, %add3A_348 : i32
        %get3A_350 = arith.index_cast %add3A_349 : i32 to index
        %get3A_351 = arith.constant 0 : index
        %get3A_352 = tpu.vector_load %arg4[%get3A_350, %get3A_351] {strides = array<i32>} : memref<640x16xf32, #tpu.memory_space<vmem>>, vector<1x16xf32>,
        %get3A_353 = vector.shape_cast %get3A_352 : vector<1x16xf32> to vector<16xf32>
        %swap3A_354 = arith.index_cast %scan3A_254 : i32 to index
        %swap3A_355 = arith.constant 112 : index
        %swap3A_356 = tpu.vector_load %arg5[%swap3A_354, %swap3A_355] {strides = array<i32>} : memref<80x128xf32, #tpu.memory_space<vmem>>, vector<1x16xf32>,
        %swap3A_357 = vector.shape_cast %swap3A_356 : vector<1x16xf32> to vector<16xf32>
        %swap3A_358 = vector.shape_cast %get3A_353 : vector<16xf32> to vector<1x16xf32>
        tpu.vector_store %arg5[%swap3A_354, %swap3A_355], %swap3A_358 {strides = array<i32>} : memref<80x128xf32, #tpu.memory_space<vmem>>, vector<1x16xf32>,
        %scan3A_359 = arith.constant 3 : i32
        %scan3A_360 = arith.addi %scan3A_44, %scan3A_359 : i32
        %mul3A_361 = arith.constant 8 : i32
        %mul3A_362 = arith.muli %scan3A_360, %mul3A_361 : i32
        %add3A_363 = arith.constant 0 : i32
        %add3A_364 = arith.addi %mul3A_362, %add3A_363 : i32
        %get3A_365 = arith.index_cast %add3A_364 : i32 to index
        %get3A_366 = arith.constant 0 : index
        %get3A_367 = tpu.vector_load %arg4[%get3A_365, %get3A_366] {strides = array<i32>} : memref<640x16xf32, #tpu.memory_space<vmem>>, vector<1x16xf32>,
        %get3A_368 = vector.shape_cast %get3A_367 : vector<1x16xf32> to vector<16xf32>
        %swap3A_369 = arith.index_cast %scan3A_360 : i32 to index
        %swap3A_370 = arith.constant 0 : index
        %swap3A_371 = tpu.vector_load %arg5[%swap3A_369, %swap3A_370] {strides = array<i32>} : memref<80x128xf32, #tpu.memory_space<vmem>>, vector<1x16xf32>,
        %swap3A_372 = vector.shape_cast %swap3A_371 : vector<1x16xf32> to vector<16xf32>
        %swap3A_373 = vector.shape_cast %get3A_368 : vector<16xf32> to vector<1x16xf32>
        tpu.vector_store %arg5[%swap3A_369, %swap3A_370], %swap3A_373 {strides = array<i32>} : memref<80x128xf32, #tpu.memory_space<vmem>>, vector<1x16xf32>,
        %mul3A_374 = arith.constant 8 : i32
        %mul3A_375 = arith.muli %scan3A_360, %mul3A_374 : i32
        %add3A_376 = arith.constant 1 : i32
        %add3A_377 = arith.addi %mul3A_375, %add3A_376 : i32
        %get3A_378 = arith.index_cast %add3A_377 : i32 to index
        %get3A_379 = arith.constant 0 : index
        %get3A_380 = tpu.vector_load %arg4[%get3A_378, %get3A_379] {strides = array<i32>} : memref<640x16xf32, #tpu.memory_space<vmem>>, vector<1x16xf32>,
        %get3A_381 = vector.shape_cast %get3A_380 : vector<1x16xf32> to vector<16xf32>
        %swap3A_382 = arith.index_cast %scan3A_360 : i32 to index
        %swap3A_383 = arith.constant 16 : index
        %swap3A_384 = tpu.vector_load %arg5[%swap3A_382, %swap3A_383] {strides = array<i32>} : memref<80x128xf32, #tpu.memory_space<vmem>>, vector<1x16xf32>,
        %swap3A_385 = vector.shape_cast %swap3A_384 : vector<1x16xf32> to vector<16xf32>
        %swap3A_386 = vector.shape_cast %get3A_381 : vector<16xf32> to vector<1x16xf32>
        tpu.vector_store %arg5[%swap3A_382, %swap3A_383], %swap3A_386 {strides = array<i32>} : memref<80x128xf32, #tpu.memory_space<vmem>>, vector<1x16xf32>,
        %mul3A_387 = arith.constant 8 : i32
        %mul3A_388 = arith.muli %scan3A_360, %mul3A_387 : i32
        %add3A_389 = arith.constant 2 : i32
        %add3A_390 = arith.addi %mul3A_388, %add3A_389 : i32
        %get3A_391 = arith.index_cast %add3A_390 : i32 to index
        %get3A_392 = arith.constant 0 : index
        %get3A_393 = tpu.vector_load %arg4[%get3A_391, %get3A_392] {strides = array<i32>} : memref<640x16xf32, #tpu.memory_space<vmem>>, vector<1x16xf32>,
        %get3A_394 = vector.shape_cast %get3A_393 : vector<1x16xf32> to vector<16xf32>
        %swap3A_395 = arith.index_cast %scan3A_360 : i32 to index
        %swap3A_396 = arith.constant 32 : index
        %swap3A_397 = tpu.vector_load %arg5[%swap3A_395, %swap3A_396] {strides = array<i32>} : memref<80x128xf32, #tpu.memory_space<vmem>>, vector<1x16xf32>,
        %swap3A_398 = vector.shape_cast %swap3A_397 : vector<1x16xf32> to vector<16xf32>
        %swap3A_399 = vector.shape_cast %get3A_394 : vector<16xf32> to vector<1x16xf32>
        tpu.vector_store %arg5[%swap3A_395, %swap3A_396], %swap3A_399 {strides = array<i32>} : memref<80x128xf32, #tpu.memory_space<vmem>>, vector<1x16xf32>,
        %mul3A_400 = arith.constant 8 : i32
        %mul3A_401 = arith.muli %scan3A_360, %mul3A_400 : i32
        %add3A_402 = arith.constant 3 : i32
        %add3A_403 = arith.addi %mul3A_401, %add3A_402 : i32
        %get3A_404 = arith.index_cast %add3A_403 : i32 to index
        %get3A_405 = arith.constant 0 : index
        %get3A_406 = tpu.vector_load %arg4[%get3A_404, %get3A_405] {strides = array<i32>} : memref<640x16xf32, #tpu.memory_space<vmem>>, vector<1x16xf32>,
        %get3A_407 = vector.shape_cast %get3A_406 : vector<1x16xf32> to vector<16xf32>
        %swap3A_408 = arith.index_cast %scan3A_360 : i32 to index
        %swap3A_409 = arith.constant 48 : index
        %swap3A_410 = tpu.vector_load %arg5[%swap3A_408, %swap3A_409] {strides = array<i32>} : memref<80x128xf32, #tpu.memory_space<vmem>>, vector<1x16xf32>,
        %swap3A_411 = vector.shape_cast %swap3A_410 : vector<1x16xf32> to vector<16xf32>
        %swap3A_412 = vector.shape_cast %get3A_407 : vector<16xf32> to vector<1x16xf32>
        tpu.vector_store %arg5[%swap3A_408, %swap3A_409], %swap3A_412 {strides = array<i32>} : memref<80x128xf32, #tpu.memory_space<vmem>>, vector<1x16xf32>,
        %mul3A_413 = arith.constant 8 : i32
        %mul3A_414 = arith.muli %scan3A_360, %mul3A_413 : i32
        %add3A_415 = arith.constant 4 : i32
        %add3A_416 = arith.addi %mul3A_414, %add3A_415 : i32
        %get3A_417 = arith.index_cast %add3A_416 : i32 to index
        %get3A_418 = arith.constant 0 : index
        %get3A_419 = tpu.vector_load %arg4[%get3A_417, %get3A_418] {strides = array<i32>} : memref<640x16xf32, #tpu.memory_space<vmem>>, vector<1x16xf32>,
        %get3A_420 = vector.shape_cast %get3A_419 : vector<1x16xf32> to vector<16xf32>
        %swap3A_421 = arith.index_cast %scan3A_360 : i32 to index
        %swap3A_422 = arith.constant 64 : index
        %swap3A_423 = tpu.vector_load %arg5[%swap3A_421, %swap3A_422] {strides = array<i32>} : memref<80x128xf32, #tpu.memory_space<vmem>>, vector<1x16xf32>,
        %swap3A_424 = vector.shape_cast %swap3A_423 : vector<1x16xf32> to vector<16xf32>
        %swap3A_425 = vector.shape_cast %get3A_420 : vector<16xf32> to vector<1x16xf32>
        tpu.vector_store %arg5[%swap3A_421, %swap3A_422], %swap3A_425 {strides = array<i32>} : memref<80x128xf32, #tpu.memory_space<vmem>>, vector<1x16xf32>,
        %mul3A_426 = arith.constant 8 : i32
        %mul3A_427 = arith.muli %scan3A_360, %mul3A_426 : i32
        %add3A_428 = arith.constant 5 : i32
        %add3A_429 = arith.addi %mul3A_427, %add3A_428 : i32
        %get3A_430 = arith.index_cast %add3A_429 : i32 to index
        %get3A_431 = arith.constant 0 : index
        %get3A_432 = tpu.vector_load %arg4[%get3A_430, %get3A_431] {strides = array<i32>} : memref<640x16xf32, #tpu.memory_space<vmem>>, vector<1x16xf32>,
        %get3A_433 = vector.shape_cast %get3A_432 : vector<1x16xf32> to vector<16xf32>
        %swap3A_434 = arith.index_cast %scan3A_360 : i32 to index
        %swap3A_435 = arith.constant 80 : index
        %swap3A_436 = tpu.vector_load %arg5[%swap3A_434, %swap3A_435] {strides = array<i32>} : memref<80x128xf32, #tpu.memory_space<vmem>>, vector<1x16xf32>,
        %swap3A_437 = vector.shape_cast %swap3A_436 : vector<1x16xf32> to vector<16xf32>
        %swap3A_438 = vector.shape_cast %get3A_433 : vector<16xf32> to vector<1x16xf32>
        tpu.vector_store %arg5[%swap3A_434, %swap3A_435], %swap3A_438 {strides = array<i32>} : memref<80x128xf32, #tpu.memory_space<vmem>>, vector<1x16xf32>,
        %mul3A_439 = arith.constant 8 : i32
        %mul3A_440 = arith.muli %scan3A_360, %mul3A_439 : i32
        %add3A_441 = arith.constant 6 : i32
        %add3A_442 = arith.addi %mul3A_440, %add3A_441 : i32
        %get3A_443 = arith.index_cast %add3A_442 : i32 to index
        %get3A_444 = arith.constant 0 : index
        %get3A_445 = tpu.vector_load %arg4[%get3A_443, %get3A_444] {strides = array<i32>} : memref<640x16xf32, #tpu.memory_space<vmem>>, vector<1x16xf32>,
        %get3A_446 = vector.shape_cast %get3A_445 : vector<1x16xf32> to vector<16xf32>
        %swap3A_447 = arith.index_cast %scan3A_360 : i32 to index
        %swap3A_448 = arith.constant 96 : index
        %swap3A_449 = tpu.vector_load %arg5[%swap3A_447, %swap3A_448] {strides = array<i32>} : memref<80x128xf32, #tpu.memory_space<vmem>>, vector<1x16xf32>,
        %swap3A_450 = vector.shape_cast %swap3A_449 : vector<1x16xf32> to vector<16xf32>
        %swap3A_451 = vector.shape_cast %get3A_446 : vector<16xf32> to vector<1x16xf32>
        tpu.vector_store %arg5[%swap3A_447, %swap3A_448], %swap3A_451 {strides = array<i32>} : memref<80x128xf32, #tpu.memory_space<vmem>>, vector<1x16xf32>,
        %mul3A_452 = arith.constant 8 : i32
        %mul3A_453 = arith.muli %scan3A_360, %mul3A_452 : i32
        %add3A_454 = arith.constant 7 : i32
        %add3A_455 = arith.addi %mul3A_453, %add3A_454 : i32
        %get3A_456 = arith.index_cast %add3A_455 : i32 to index
        %get3A_457 = arith.constant 0 : index
        %get3A_458 = tpu.vector_load %arg4[%get3A_456, %get3A_457] {strides = array<i32>} : memref<640x16xf32, #tpu.memory_space<vmem>>, vector<1x16xf32>,
        %get3A_459 = vector.shape_cast %get3A_458 : vector<1x16xf32> to vector<16xf32>
        %swap3A_460 = arith.index_cast %scan3A_360 : i32 to index
        %swap3A_461 = arith.constant 112 : index
        %swap3A_462 = tpu.vector_load %arg5[%swap3A_460, %swap3A_461] {strides = array<i32>} : memref<80x128xf32, #tpu.memory_space<vmem>>, vector<1x16xf32>,
        %swap3A_463 = vector.shape_cast %swap3A_462 : vector<1x16xf32> to vector<16xf32>
        %swap3A_464 = vector.shape_cast %get3A_459 : vector<16xf32> to vector<1x16xf32>
        tpu.vector_store %arg5[%swap3A_460, %swap3A_461], %swap3A_464 {strides = array<i32>} : memref<80x128xf32, #tpu.memory_space<vmem>>, vector<1x16xf32>,
      }
      %scan3A_43 = arith.constant 80 : i32
      "tpu.region"() ({
        %run_scoped3A = tpu.sem_alloc : memref<!tpu.dma_semaphore, #tpu.memory_space<semaphore_mem>>
        %dma_start3A = arith.constant 0 : i32
        %dma_start3A_44 = tpu.memref_slice %arg3[%multiple_of3A_38, %dma_start3A] : memref<400000x128xf32, #tpu.memory_space<hbm>> -> memref<80x128xf32, #tpu.memory_space<hbm>>
        %dma_start3A_45 = arith.constant 0 : i32
        %dma_start3A_46 = tpu.memref_slice %arg3[%multiple_of3A_38, %dma_start3A_45] : memref<400000x128xf32, #tpu.memory_space<hbm>> -> memref<80x128xf32, #tpu.memory_space<hbm>>
        tpu.enqueue_dma source(%arg5 : memref<80x128xf32, #tpu.memory_space<vmem>>) target(%dma_start3A_46 : memref<80x128xf32, #tpu.memory_space<hbm>>) target_semaphore(%run_scoped3A : memref<!tpu.dma_semaphore, #tpu.memory_space<semaphore_mem>>)
        %dma_wait3A = arith.constant 0 : i32
        %dma_wait3A_47 = tpu.memref_slice %arg3[%multiple_of3A_38, %dma_wait3A] : memref<400000x128xf32, #tpu.memory_space<hbm>> -> memref<80x128xf32, #tpu.memory_space<hbm>>
        %dma_wait3A_48 = arith.constant 0 : i32
        %dma_wait3A_49 = tpu.memref_slice %arg3[%multiple_of3A_38, %dma_wait3A_48] : memref<400000x128xf32, #tpu.memory_space<hbm>> -> memref<80x128xf32, #tpu.memory_space<hbm>>
        tpu.wait_dma2 semaphore(%run_scoped3A : memref<!tpu.dma_semaphore, #tpu.memory_space<semaphore_mem>>) src(%arg5 : memref<80x128xf32, #tpu.memory_space<vmem>>) dst(%dma_wait3A_49 : memref<80x128xf32, #tpu.memory_space<hbm>>)
        tpu.yield
      }) : () -> ()
    }
    return
  }
}

module attributes {stable_mosaic.version = 14 : i64} {
  func.func @_pool_body(%arg0: i32, %arg1: memref<400xi32, #tpu.memory_space<smem>>, %arg2: memref<400xi32, #tpu.memory_space<smem>>, %arg3: memref<1x1x8000xi32, #tpu.memory_space<vmem>>, %arg4: memref<1000x128xf32, #tpu.memory_space<vmem>>, %arg5: memref<16x64xf32, #tpu.memory_space<vmem>>, %arg6: memref<1x64xf32, #tpu.memory_space<vmem>>, %arg7: memref<64x16xf32, #tpu.memory_space<vmem>>, %arg8: memref<1x1xf32, #tpu.memory_space<vmem>>, %arg9: memref<512x16xf32, #tpu.memory_space<vmem>>, %arg10: memref<528x32xf32, #tpu.memory_space<vmem>>) attributes {dimension_semantics = [#tpu.dimension_semantics<arbitrary>], iteration_bounds = array<i64: 400>, scalar_prefetch = 2 : i64, scratch_operands = 1 : i64, tpu.core_type = #tpu.core_type<tc>, window_params = [{transform_indices = @transform_0, window_bounds = array<i64: 1, 1, 8000>}, {transform_indices = @transform_1, window_bounds = array<i64: 1000, 128>}, {pipeline_mode = #tpu.pipeline_mode<synchronous>, transform_indices = @transform_2, window_bounds = array<i64: 16, 64>}, {pipeline_mode = #tpu.pipeline_mode<synchronous>, transform_indices = @transform_3, window_bounds = array<i64: 1, 64>}, {pipeline_mode = #tpu.pipeline_mode<synchronous>, transform_indices = @transform_4, window_bounds = array<i64: 64, 16>}, {pipeline_mode = #tpu.pipeline_mode<synchronous>, transform_indices = @transform_5, window_bounds = array<i64: 1, 1>}, {pipeline_mode = #tpu.pipeline_mode<synchronous>, transform_indices = @transform_6, window_bounds = array<i64: 512, 16>}]} {
    %eq3A = arith.constant 0 : i32
    %eq3A_0 = arith.cmpi eq, %arg0, %eq3A : i32
    %convert_element_type3A = arith.extui %eq3A_0 : i1 to i32
    %cond3A = arith.constant 0 : i32
    %cond3A_1 = arith.cmpi ne, %convert_element_type3A, %cond3A : i32
    scf.if %cond3A_1 {
      %broadcast_in_dim3A_118 = arith.constant 0.000000e+00 : f32
      %broadcast_in_dim3A_119 = vector.broadcast %broadcast_in_dim3A_118 : f32 to vector<528x32xf32>
      %swap3A_120 = arith.constant 0 : index
      %swap3A_121 = arith.constant 0 : index
      %swap3A_122 = vector.load %arg10[%swap3A_120, %swap3A_121] : memref<528x32xf32, #tpu.memory_space<vmem>>, vector<528x32xf32>
      tpu.vector_store %arg10[%swap3A_120, %swap3A_121], %broadcast_in_dim3A_119 {strides = array<i32>} : memref<528x32xf32, #tpu.memory_space<vmem>>, vector<528x32xf32>,
    } else {
    }
    %get3A = arith.constant 0 : index
    %get3A_2 = arith.constant 0 : index
    %get3A_3 = vector.load %arg4[%get3A, %get3A_2] : memref<1000x128xf32, #tpu.memory_space<vmem>>, vector<1000x128xf32>
    %slice3A = vector.extract_strided_slice %get3A_3 {offsets = [0, 0], sizes = [1000, 16], strides = [1, 1]} : vector<1000x128xf32> to vector<1000x16xf32>
    %slice3A_4 = vector.extract_strided_slice %get3A_3 {offsets = [0, 16], sizes = [1000, 16], strides = [1, 1]} : vector<1000x128xf32> to vector<1000x16xf32>
    %slice3A_5 = vector.extract_strided_slice %get3A_3 {offsets = [0, 32], sizes = [1000, 16], strides = [1, 1]} : vector<1000x128xf32> to vector<1000x16xf32>
    %slice3A_6 = vector.extract_strided_slice %get3A_3 {offsets = [0, 48], sizes = [1000, 16], strides = [1, 1]} : vector<1000x128xf32> to vector<1000x16xf32>
    %slice3A_7 = vector.extract_strided_slice %get3A_3 {offsets = [0, 64], sizes = [1000, 16], strides = [1, 1]} : vector<1000x128xf32> to vector<1000x16xf32>
    %slice3A_8 = vector.extract_strided_slice %get3A_3 {offsets = [0, 80], sizes = [1000, 16], strides = [1, 1]} : vector<1000x128xf32> to vector<1000x16xf32>
    %slice3A_9 = vector.extract_strided_slice %get3A_3 {offsets = [0, 96], sizes = [1000, 16], strides = [1, 1]} : vector<1000x128xf32> to vector<1000x16xf32>
    %slice3A_10 = vector.extract_strided_slice %get3A_3 {offsets = [0, 112], sizes = [1000, 16], strides = [1, 1]} : vector<1000x128xf32> to vector<1000x16xf32>
    %concatenate3A = tpu.concatenate %slice3A, %slice3A_4, %slice3A_5, %slice3A_6, %slice3A_7, %slice3A_8, %slice3A_9, %slice3A_10 in 0 : vector<1000x16xf32>, vector<1000x16xf32>, vector<1000x16xf32>, vector<1000x16xf32>, vector<1000x16xf32>, vector<1000x16xf32>, vector<1000x16xf32>, vector<1000x16xf32> -> vector<8000x16xf32>
    %get3A_11 = arith.constant 0 : index
    %get3A_12 = arith.constant 0 : index
    %get3A_13 = vector.load %arg5[%get3A_11, %get3A_12] : memref<16x64xf32, #tpu.memory_space<vmem>>, vector<16x64xf32>
    %dot_general3A = arith.constant dense<0.000000e+00> : vector<8000x64xf32>
    %dot_general3A_14 = tpu.matmul %concatenate3A, %get3A_13, %dot_general3A {dimension_numbers = #tpu.dot_dimension_numbers<[1], [0], [0], [1], [0, 0, 1, 1], [], []>, transpose_lhs_hint = false} : vector<8000x16xf32>, vector<16x64xf32>, vector<8000x64xf32> -> vector<8000x64xf32>
    %get3A_15 = arith.constant 0 : index
    %get3A_16 = arith.constant 0 : index
    %get3A_17 = vector.load %arg6[%get3A_15, %get3A_16] : memref<1x64xf32, #tpu.memory_space<vmem>>, vector<1x64xf32>
    %add3A = vector.broadcast %get3A_17 : vector<1x64xf32> to vector<8000x64xf32>
    %add3A_18 = arith.addf %dot_general3A_14, %add3A : vector<8000x64xf32>
    %tanh3A = math.tanh %add3A_18 : vector<8000x64xf32>
    %get3A_19 = arith.constant 0 : index
    %get3A_20 = arith.constant 0 : index
    %get3A_21 = vector.load %arg7[%get3A_19, %get3A_20] : memref<64x16xf32, #tpu.memory_space<vmem>>, vector<64x16xf32>
    %dot_general3A_22 = arith.constant dense<0.000000e+00> : vector<8000x16xf32>
    %dot_general3A_23 = tpu.matmul %tanh3A, %get3A_21, %dot_general3A_22 {dimension_numbers = #tpu.dot_dimension_numbers<[1], [0], [0], [1], [0, 0, 1, 1], [], []>, transpose_lhs_hint = false} : vector<8000x64xf32>, vector<64x16xf32>, vector<8000x16xf32> -> vector<8000x16xf32>
    %get3A_24 = arith.constant 0 : index
    %get3A_25 = arith.constant 0 : index
    %get3A_26 = vector.load %arg8[%get3A_24, %get3A_25] : memref<1x1xf32, #tpu.memory_space<vmem>>, vector<1x1xf32>
    %add3A_27 = vector.broadcast %get3A_26 : vector<1x1xf32> to vector<8000x16xf32>
    %add3A_28 = arith.addf %dot_general3A_23, %add3A_27 : vector<8000x16xf32>
    %exp3A = math.exp %add3A_28 : vector<8000x16xf32>
    %mul3A = arith.mulf %concatenate3A, %exp3A : vector<8000x16xf32>
    %get3A_29 = arith.constant 0 : index
    %get3A_30 = arith.constant 0 : index
    %get3A_31 = arith.constant 0 : index
    %get3A_32 = vector.load %arg3[%get3A_29, %get3A_30, %get3A_31] : memref<1x1x8000xi32, #tpu.memory_space<vmem>>, vector<1x1x8000xi32>
    %get3A_33 = vector.shape_cast %get3A_32 : vector<1x1x8000xi32> to vector<8000xi32>
    %get3A_34 = arith.index_cast %arg0 : i32 to index
    %get3A_35 = memref.load %arg1[%get3A_34] : memref<400xi32, #tpu.memory_space<smem>>
    %jit3A = arith.constant 8 : i32
    %div3A = arith.divsi %get3A_35, %jit3A : i32
    %sign3A = arith.constant 0 : i32
    %sign3A_36 = arith.cmpi sgt, %get3A_35, %sign3A : i32
    %sign3A_37 = arith.extui %sign3A_36 : i1 to i32
    %sign3A_38 = arith.constant 0 : i32
    %sign3A_39 = arith.cmpi slt, %get3A_35, %sign3A_38 : i32
    %sign3A_40 = arith.extui %sign3A_39 : i1 to i32
    %sign3A_41 = arith.subi %sign3A_37, %sign3A_40 : i32
    %sign3A_42 = arith.constant 0 : i32
    %sign3A_43 = arith.cmpi sgt, %jit3A, %sign3A_42 : i32
    %sign3A_44 = arith.extui %sign3A_43 : i1 to i32
    %sign3A_45 = arith.constant 0 : i32
    %sign3A_46 = arith.cmpi slt, %jit3A, %sign3A_45 : i32
    %sign3A_47 = arith.extui %sign3A_46 : i1 to i32
    %sign3A_48 = arith.subi %sign3A_44, %sign3A_47 : i32
    %ne3A = arith.cmpi ne, %sign3A_41, %sign3A_48 : i32
    %rem3A = arith.remsi %get3A_35, %jit3A : i32
    %ne3A_49 = arith.constant 0 : i32
    %ne3A_50 = arith.cmpi ne, %rem3A, %ne3A_49 : i32
    %and3A = arith.andi %ne3A, %ne3A_50 : i1
    %sub3A = arith.constant 1 : i32
    %sub3A_51 = arith.subi %div3A, %sub3A : i32
    %select_n3A = arith.select %and3A, %sub3A_51, %div3A : i32
    %mul3A_52 = arith.constant 8 : i32
    %mul3A_53 = arith.muli %select_n3A, %mul3A_52 : i32
    %get3A_54 = arith.index_cast %arg0 : i32 to index
    %get3A_55 = memref.load %arg2[%get3A_54] : memref<400xi32, #tpu.memory_space<smem>>
    %sub3A_56 = arith.subi %get3A_55, %mul3A_53 : i32
    %jit3A_57 = arith.constant 16 : i32
    %div3A_58 = arith.divsi %sub3A_56, %jit3A_57 : i32
    %sign3A_59 = arith.constant 0 : i32
    %sign3A_60 = arith.cmpi sgt, %sub3A_56, %sign3A_59 : i32
    %sign3A_61 = arith.extui %sign3A_60 : i1 to i32
    %sign3A_62 = arith.constant 0 : i32
    %sign3A_63 = arith.cmpi slt, %sub3A_56, %sign3A_62 : i32
    %sign3A_64 = arith.extui %sign3A_63 : i1 to i32
    %sign3A_65 = arith.subi %sign3A_61, %sign3A_64 : i32
    %sign3A_66 = arith.constant 0 : i32
    %sign3A_67 = arith.cmpi sgt, %jit3A_57, %sign3A_66 : i32
    %sign3A_68 = arith.extui %sign3A_67 : i1 to i32
    %sign3A_69 = arith.constant 0 : i32
    %sign3A_70 = arith.cmpi slt, %jit3A_57, %sign3A_69 : i32
    %sign3A_71 = arith.extui %sign3A_70 : i1 to i32
    %sign3A_72 = arith.subi %sign3A_68, %sign3A_71 : i32
    %ne3A_73 = arith.cmpi ne, %sign3A_65, %sign3A_72 : i32
    %rem3A_74 = arith.remsi %sub3A_56, %jit3A_57 : i32
    %ne3A_75 = arith.constant 0 : i32
    %ne3A_76 = arith.cmpi ne, %rem3A_74, %ne3A_75 : i32
    %and3A_77 = arith.andi %ne3A_73, %ne3A_76 : i1
    %sub3A_78 = arith.constant 1 : i32
    %sub3A_79 = arith.subi %div3A_58, %sub3A_78 : i32
    %select_n3A_80 = arith.select %and3A_77, %sub3A_79, %div3A_58 : i32
    %add3A_81 = arith.constant 1 : i32
    %add3A_82 = arith.addi %select_n3A_80, %add3A_81 : i32
    %add3A_83 = arith.constant 0 : i32
    %add3A_84 = arith.addi %mul3A_53, %add3A_83 : i32
    %iota3A = tpu.iota {dimensions = array<i32: 0>} : vector<16x1xi32>
    %add3A_85 = vector.broadcast %add3A_84 : i32 to vector<16x1xi32>
    %add3A_86 = arith.addi %iota3A, %add3A_85 : vector<16x1xi32>
    %broadcast_in_dim3A = vector.shape_cast %get3A_33 : vector<8000xi32> to vector<1x8000xi32>
    %eq3A_87 = vector.broadcast %add3A_86 : vector<16x1xi32> to vector<16x8000xi32>
    %eq3A_88 = vector.broadcast %broadcast_in_dim3A : vector<1x8000xi32> to vector<16x8000xi32>
    %eq3A_89 = arith.cmpi eq, %eq3A_87, %eq3A_88 : vector<16x8000xi32>
    %convert_element_type3A_90 = arith.extui %eq3A_89 : vector<16x8000xi1> to vector<16x8000xi32>
    %convert_element_type3A_91 = arith.sitofp %convert_element_type3A_90 : vector<16x8000xi32> to vector<16x8000xf32>
    %dot_general3A_92 = arith.constant dense<0.000000e+00> : vector<16x16xf32>
    %dot_general3A_93 = tpu.matmul %convert_element_type3A_91, %mul3A, %dot_general3A_92 {dimension_numbers = #tpu.dot_dimension_numbers<[1], [0], [0], [1], [0, 0, 1, 1], [], []>, transpose_lhs_hint = false} : vector<16x8000xf32>, vector<8000x16xf32>, vector<16x16xf32> -> vector<16x16xf32>
    %dot_general3A_94 = arith.constant dense<0.000000e+00> : vector<16x16xf32>
    %dot_general3A_95 = tpu.matmul %convert_element_type3A_91, %exp3A, %dot_general3A_94 {dimension_numbers = #tpu.dot_dimension_numbers<[1], [0], [0], [1], [0, 0, 1, 1], [], []>, transpose_lhs_hint = false} : vector<16x8000xf32>, vector<8000x16xf32>, vector<16x16xf32> -> vector<16x16xf32>
    %get3A_96 = arith.index_cast %add3A_84 : i32 to index
    %get3A_97 = arith.constant 0 : index
    %get3A_98 = vector.load %arg10[%get3A_96, %get3A_97] : memref<528x32xf32, #tpu.memory_space<vmem>>, vector<16x16xf32>
    %add3A_99 = arith.addf %get3A_98, %dot_general3A_93 : vector<16x16xf32>
    %swap3A = arith.index_cast %add3A_84 : i32 to index
    %swap3A_100 = arith.constant 0 : index
    %swap3A_101 = vector.load %arg10[%swap3A, %swap3A_100] : memref<528x32xf32, #tpu.memory_space<vmem>>, vector<16x16xf32>
    tpu.vector_store %arg10[%swap3A, %swap3A_100], %add3A_99 {strides = array<i32>} : memref<528x32xf32, #tpu.memory_space<vmem>>, vector<16x16xf32>,
    %get3A_102 = arith.index_cast %add3A_84 : i32 to index
    %get3A_103 = arith.constant 16 : index
    %get3A_104 = vector.load %arg10[%get3A_102, %get3A_103] : memref<528x32xf32, #tpu.memory_space<vmem>>, vector<16x16xf32>
    %add3A_105 = arith.addf %get3A_104, %dot_general3A_95 : vector<16x16xf32>
    %swap3A_106 = arith.index_cast %add3A_84 : i32 to index
    %swap3A_107 = arith.constant 16 : index
    %swap3A_108 = vector.load %arg10[%swap3A_106, %swap3A_107] : memref<528x32xf32, #tpu.memory_space<vmem>>, vector<16x16xf32>
    tpu.vector_store %arg10[%swap3A_106, %swap3A_107], %add3A_105 {strides = array<i32>} : memref<528x32xf32, #tpu.memory_space<vmem>>, vector<16x16xf32>,
    %gt3A = arith.constant 1 : i32
    %gt3A_109 = arith.cmpi sgt, %add3A_82, %gt3A : i32
    %convert_element_type3A_110 = arith.extui %gt3A_109 : i1 to i32
    %cond3A_111 = arith.constant 0 : i32
    %cond3A_112 = arith.cmpi ne, %convert_element_type3A_110, %cond3A_111 : i32
    scf.if %cond3A_112 {
      %while3A = arith.constant 0 : i32
      %while3A_118 = arith.constant 1 : i32
      %while3A_119 = arith.subi %add3A_82, %while3A_118 : i32
      %while3A_120 = arith.addi %while3A_118, %while3A_119 : i32
      %while3A_121 = arith.constant 1 : i32
      %while3A_122 = arith.divsi %while3A_119, %while3A_121 : i32
      %while3A_123 = arith.muli %while3A_122, %while3A_121 : i32
      %while3A_124 = arith.addi %while3A_118, %while3A_123 : i32
      %while3A_125 = arith.constant 1 : i32
      scf.for %while3A_127 = %while3A_118 to %while3A_124 step %while3A_125  : i32 {
        %mul3A_128 = arith.constant 16 : i32
        %mul3A_129 = arith.muli %while3A_127, %mul3A_128 : i32
        %add3A_130 = arith.addi %mul3A_53, %mul3A_129 : i32
        %iota3A_131 = tpu.iota {dimensions = array<i32: 0>} : vector<16x1xi32>
        %add3A_132 = vector.broadcast %add3A_130 : i32 to vector<16x1xi32>
        %add3A_133 = arith.addi %iota3A_131, %add3A_132 : vector<16x1xi32>
        %broadcast_in_dim3A_134 = vector.shape_cast %get3A_33 : vector<8000xi32> to vector<1x8000xi32>
        %eq3A_135 = vector.broadcast %add3A_133 : vector<16x1xi32> to vector<16x8000xi32>
        %eq3A_136 = vector.broadcast %broadcast_in_dim3A_134 : vector<1x8000xi32> to vector<16x8000xi32>
        %eq3A_137 = arith.cmpi eq, %eq3A_135, %eq3A_136 : vector<16x8000xi32>
        %convert_element_type3A_138 = arith.extui %eq3A_137 : vector<16x8000xi1> to vector<16x8000xi32>
        %convert_element_type3A_139 = arith.sitofp %convert_element_type3A_138 : vector<16x8000xi32> to vector<16x8000xf32>
        %dot_general3A_140 = arith.constant dense<0.000000e+00> : vector<16x16xf32>
        %dot_general3A_141 = tpu.matmul %convert_element_type3A_139, %mul3A, %dot_general3A_140 {dimension_numbers = #tpu.dot_dimension_numbers<[1], [0], [0], [1], [0, 0, 1, 1], [], []>, transpose_lhs_hint = false} : vector<16x8000xf32>, vector<8000x16xf32>, vector<16x16xf32> -> vector<16x16xf32>
        %dot_general3A_142 = arith.constant dense<0.000000e+00> : vector<16x16xf32>
        %dot_general3A_143 = tpu.matmul %convert_element_type3A_139, %exp3A, %dot_general3A_142 {dimension_numbers = #tpu.dot_dimension_numbers<[1], [0], [0], [1], [0, 0, 1, 1], [], []>, transpose_lhs_hint = false} : vector<16x8000xf32>, vector<8000x16xf32>, vector<16x16xf32> -> vector<16x16xf32>
        %get3A_144 = arith.index_cast %add3A_130 : i32 to index
        %get3A_145 = arith.constant 0 : index
        %get3A_146 = vector.load %arg10[%get3A_144, %get3A_145] : memref<528x32xf32, #tpu.memory_space<vmem>>, vector<16x16xf32>
        %add3A_147 = arith.addf %get3A_146, %dot_general3A_141 : vector<16x16xf32>
        %swap3A_148 = arith.index_cast %add3A_130 : i32 to index
        %swap3A_149 = arith.constant 0 : index
        %swap3A_150 = vector.load %arg10[%swap3A_148, %swap3A_149] : memref<528x32xf32, #tpu.memory_space<vmem>>, vector<16x16xf32>
        tpu.vector_store %arg10[%swap3A_148, %swap3A_149], %add3A_147 {strides = array<i32>} : memref<528x32xf32, #tpu.memory_space<vmem>>, vector<16x16xf32>,
        %get3A_151 = arith.index_cast %add3A_130 : i32 to index
        %get3A_152 = arith.constant 16 : index
        %get3A_153 = vector.load %arg10[%get3A_151, %get3A_152] : memref<528x32xf32, #tpu.memory_space<vmem>>, vector<16x16xf32>
        %add3A_154 = arith.addf %get3A_153, %dot_general3A_143 : vector<16x16xf32>
        %swap3A_155 = arith.index_cast %add3A_130 : i32 to index
        %swap3A_156 = arith.constant 16 : index
        %swap3A_157 = vector.load %arg10[%swap3A_155, %swap3A_156] : memref<528x32xf32, #tpu.memory_space<vmem>>, vector<16x16xf32>
        tpu.vector_store %arg10[%swap3A_155, %swap3A_156], %add3A_154 {strides = array<i32>} : memref<528x32xf32, #tpu.memory_space<vmem>>, vector<16x16xf32>,
      }
      %while3A_126 = arith.constant 1 : i32
      scf.for %while3A_127 = %while3A_124 to %while3A_120 step %while3A_126  : i32 {
        %mul3A_128 = arith.constant 16 : i32
        %mul3A_129 = arith.muli %while3A_127, %mul3A_128 : i32
        %add3A_130 = arith.addi %mul3A_53, %mul3A_129 : i32
        %iota3A_131 = tpu.iota {dimensions = array<i32: 0>} : vector<16x1xi32>
        %add3A_132 = vector.broadcast %add3A_130 : i32 to vector<16x1xi32>
        %add3A_133 = arith.addi %iota3A_131, %add3A_132 : vector<16x1xi32>
        %broadcast_in_dim3A_134 = vector.shape_cast %get3A_33 : vector<8000xi32> to vector<1x8000xi32>
        %eq3A_135 = vector.broadcast %add3A_133 : vector<16x1xi32> to vector<16x8000xi32>
        %eq3A_136 = vector.broadcast %broadcast_in_dim3A_134 : vector<1x8000xi32> to vector<16x8000xi32>
        %eq3A_137 = arith.cmpi eq, %eq3A_135, %eq3A_136 : vector<16x8000xi32>
        %convert_element_type3A_138 = arith.extui %eq3A_137 : vector<16x8000xi1> to vector<16x8000xi32>
        %convert_element_type3A_139 = arith.sitofp %convert_element_type3A_138 : vector<16x8000xi32> to vector<16x8000xf32>
        %dot_general3A_140 = arith.constant dense<0.000000e+00> : vector<16x16xf32>
        %dot_general3A_141 = tpu.matmul %convert_element_type3A_139, %mul3A, %dot_general3A_140 {dimension_numbers = #tpu.dot_dimension_numbers<[1], [0], [0], [1], [0, 0, 1, 1], [], []>, transpose_lhs_hint = false} : vector<16x8000xf32>, vector<8000x16xf32>, vector<16x16xf32> -> vector<16x16xf32>
        %dot_general3A_142 = arith.constant dense<0.000000e+00> : vector<16x16xf32>
        %dot_general3A_143 = tpu.matmul %convert_element_type3A_139, %exp3A, %dot_general3A_142 {dimension_numbers = #tpu.dot_dimension_numbers<[1], [0], [0], [1], [0, 0, 1, 1], [], []>, transpose_lhs_hint = false} : vector<16x8000xf32>, vector<8000x16xf32>, vector<16x16xf32> -> vector<16x16xf32>
        %get3A_144 = arith.index_cast %add3A_130 : i32 to index
        %get3A_145 = arith.constant 0 : index
        %get3A_146 = vector.load %arg10[%get3A_144, %get3A_145] : memref<528x32xf32, #tpu.memory_space<vmem>>, vector<16x16xf32>
        %add3A_147 = arith.addf %get3A_146, %dot_general3A_141 : vector<16x16xf32>
        %swap3A_148 = arith.index_cast %add3A_130 : i32 to index
        %swap3A_149 = arith.constant 0 : index
        %swap3A_150 = vector.load %arg10[%swap3A_148, %swap3A_149] : memref<528x32xf32, #tpu.memory_space<vmem>>, vector<16x16xf32>
        tpu.vector_store %arg10[%swap3A_148, %swap3A_149], %add3A_147 {strides = array<i32>} : memref<528x32xf32, #tpu.memory_space<vmem>>, vector<16x16xf32>,
        %get3A_151 = arith.index_cast %add3A_130 : i32 to index
        %get3A_152 = arith.constant 16 : index
        %get3A_153 = vector.load %arg10[%get3A_151, %get3A_152] : memref<528x32xf32, #tpu.memory_space<vmem>>, vector<16x16xf32>
        %add3A_154 = arith.addf %get3A_153, %dot_general3A_143 : vector<16x16xf32>
        %swap3A_155 = arith.index_cast %add3A_130 : i32 to index
        %swap3A_156 = arith.constant 16 : index
        %swap3A_157 = vector.load %arg10[%swap3A_155, %swap3A_156] : memref<528x32xf32, #tpu.memory_space<vmem>>, vector<16x16xf32>
        tpu.vector_store %arg10[%swap3A_155, %swap3A_156], %add3A_154 {strides = array<i32>} : memref<528x32xf32, #tpu.memory_space<vmem>>, vector<16x16xf32>,
      }
    } else {
    }
    %eq3A_113 = arith.constant 399 : i32
    %eq3A_114 = arith.cmpi eq, %arg0, %eq3A_113 : i32
    %convert_element_type3A_115 = arith.extui %eq3A_114 : i1 to i32
    %cond3A_116 = arith.constant 0 : i32
    %cond3A_117 = arith.cmpi ne, %convert_element_type3A_115, %cond3A_116 : i32
    scf.if %cond3A_117 {
      %get3A_118 = arith.constant 0 : index
      %get3A_119 = arith.constant 0 : index
      %get3A_120 = vector.load %arg10[%get3A_118, %get3A_119] : memref<528x32xf32, #tpu.memory_space<vmem>>, vector<512x32xf32>
      %slice3A_121 = vector.extract_strided_slice %get3A_120 {offsets = [0, 16], sizes = [512, 1], strides = [1, 1]} : vector<512x32xf32> to vector<512x1xf32>
      %eq3A_122 = arith.constant 0.000000e+00 : f32
      %eq3A_123 = vector.broadcast %eq3A_122 : f32 to vector<512x1xf32>
      %eq3A_124 = arith.cmpf oeq, %slice3A_121, %eq3A_123 : vector<512x1xf32>
      %jit3A_125 = arith.constant 1.000000e+00 : f32
      %broadcast_in_dim3A_126 = vector.broadcast %jit3A_125 : f32 to vector<512x1xf32>
      %select_n3A_127 = arith.select %eq3A_124, %broadcast_in_dim3A_126, %slice3A_121 : vector<512x1xi1>, vector<512x1xf32>
      %slice3A_128 = vector.extract_strided_slice %get3A_120 {offsets = [0, 0], sizes = [512, 16], strides = [1, 1]} : vector<512x32xf32> to vector<512x16xf32>
      %div3A_129 = vector.broadcast %select_n3A_127 : vector<512x1xf32> to vector<512x16xf32>
      %div3A_130 = arith.divf %slice3A_128, %div3A_129 : vector<512x16xf32>
      %swap3A_131 = arith.constant 0 : index
      %swap3A_132 = arith.constant 0 : index
      %swap3A_133 = vector.load %arg9[%swap3A_131, %swap3A_132] : memref<512x16xf32, #tpu.memory_space<vmem>>, vector<512x16xf32>
      tpu.vector_store %arg9[%swap3A_131, %swap3A_132], %div3A_130 {strides = array<i32>} : memref<512x16xf32, #tpu.memory_space<vmem>>, vector<512x16xf32>,
    } else {
    }
    return
  }
  func.func @transform_0(%arg0: i32, %arg1: memref<400xi32, #tpu.memory_space<smem>>, %arg2: memref<400xi32, #tpu.memory_space<smem>>) -> (i32, i32, i32) {
    %c0_i32 = arith.constant 0 : i32
    %c0_i32_0 = arith.constant 0 : i32
    %c0_i32_1 = arith.constant 0 : i32
    return %arg0, %c0_i32, %c0_i32_0 : i32, i32, i32
  }
  func.func @transform_1(%arg0: i32, %arg1: memref<400xi32, #tpu.memory_space<smem>>, %arg2: memref<400xi32, #tpu.memory_space<smem>>) -> (i32, i32) {
    %c0_i32 = arith.constant 0 : i32
    %c0_i32_0 = arith.constant 0 : i32
    return %arg0, %c0_i32 : i32, i32
  }
  func.func @transform_2(%arg0: i32, %arg1: memref<400xi32, #tpu.memory_space<smem>>, %arg2: memref<400xi32, #tpu.memory_space<smem>>) -> (i32, i32) {
    %c0_i32 = arith.constant 0 : i32
    %c0_i32_0 = arith.constant 0 : i32
    %c0_i32_1 = arith.constant 0 : i32
    return %c0_i32, %c0_i32_0 : i32, i32
  }
  func.func @transform_3(%arg0: i32, %arg1: memref<400xi32, #tpu.memory_space<smem>>, %arg2: memref<400xi32, #tpu.memory_space<smem>>) -> (i32, i32) {
    %c0_i32 = arith.constant 0 : i32
    %c0_i32_0 = arith.constant 0 : i32
    %c0_i32_1 = arith.constant 0 : i32
    return %c0_i32, %c0_i32_0 : i32, i32
  }
  func.func @transform_4(%arg0: i32, %arg1: memref<400xi32, #tpu.memory_space<smem>>, %arg2: memref<400xi32, #tpu.memory_space<smem>>) -> (i32, i32) {
    %c0_i32 = arith.constant 0 : i32
    %c0_i32_0 = arith.constant 0 : i32
    %c0_i32_1 = arith.constant 0 : i32
    return %c0_i32, %c0_i32_0 : i32, i32
  }
  func.func @transform_5(%arg0: i32, %arg1: memref<400xi32, #tpu.memory_space<smem>>, %arg2: memref<400xi32, #tpu.memory_space<smem>>) -> (i32, i32) {
    %c0_i32 = arith.constant 0 : i32
    %c0_i32_0 = arith.constant 0 : i32
    %c0_i32_1 = arith.constant 0 : i32
    return %c0_i32, %c0_i32_0 : i32, i32
  }
  func.func @transform_6(%arg0: i32, %arg1: memref<400xi32, #tpu.memory_space<smem>>, %arg2: memref<400xi32, #tpu.memory_space<smem>>) -> (i32, i32) {
    %c0_i32 = arith.constant 0 : i32
    %c0_i32_0 = arith.constant 0 : i32
    %c0_i32_1 = arith.constant 0 : i32
    return %c0_i32, %c0_i32_0 : i32, i32
  }
}

</mosaic_0001>

<sc_bundles>
// kernel: kernel.4.cloned.1.call-start
scs
__scs_entry_jumppad:
0x0: {  	(pc) =	sbr.rel $0x88, $3  }
0x1: {  	(tag) =	ssettag $0x0;
	lr =	simm.s32 $0x1  }
0x2: {  	[smem:$0x3F9B] =	sst lr;
	_ =	strace $0xD0000000  }
0x3: {  	_ = 	snop  }
0x4: {  	_ = 	snop  }
0x5: {  	_ = 	snop  }
0x6: {  	_ = 	snop  }
0x7: {  	_ = 	snop  }
__scs_overlays_trampoline_lowered:
0x8: {  	[smem:$0x3FAA] =	sst s0  }
0x9: {  	[smem:$0x3FAB] =	sst s1  }
0xa: {  	[smem:$0x3FAC] =	sst s2  }
0xb: {  	[smem:$0x3FAD] =	sst s3  }
0xc: {  	[smem:$0x3FAE] =	sst s4  }
0xd: {  	[smem:$0x3FAF] =	sst s5  }
0xe: {  	[smem:$0x3FB0] =	sst s6  }
0xf: {  	[smem:$0x3FB1] =	sst s7  }
0x10: {  	[smem:$0x3FB2] =	sst s8  }
0x11: {  	[smem:$0x3FB3] =	sst s9;
	s0 =	simm.s32 @!p0 $0x0  }
0x12: {  	s1 =	sld [smem:$0x3F99];
	s0 =	simm.s32 @p0 $0x1  }
0x13: {  	[smem:$0x3FB4] =	sst s0;
	s0 =	simm.s32 @!p1 $0x0  }
0x14: {  	s2 =	sld [smem:$0x3F98];
	s0 =	simm.s32 @p1 $0x1  }
0x15: {  	[smem:$0x3FB5] =	sst s0;
	s0 =	simm.s32 @!p2 $0x0  }
0x16: {  	s3 =	sld [smem:$0x3FDB];
	s0 =	simm.s32 @p2 $0x1  }
0x17: {  	s4 =	simm.s32 $0x1BF5;
	[smem:$0x3FB7] =	sst s0  }
0x18: {  	s0 =	sld [smem:$0x3F9A];
	_ =	swait.ge [sflag:s4], $0x0  }
0x19: {  	s7 =	sld [smem:$0x3F9B]  }
0x1a: {  	s8 =	sadd.s32 $0xFFFFE003, lr  }
0x1b: {  	s9 =	sadd.s32 $0xFFFFFEF7, lr;
	s5 =	simm.s32 $0xFFFFFFFF;
	p2 =	slt.u32 s8, $0xFFFFF086  }
0x1c: {  	p1 =	slt.u32 s9, $0xF7A;
	s5 =	simm.s32 @!p2 $0x0  }
0x1d: {  	s5 =	simm.s32 @p1 $0x1;
	p0 =	seq.s32 s7, s2  }
0x1e: {  	s7 =	smul.u32 @!p0 $0xF7A, s2;
	p2 =	seq.s32 @!p0 s5, $0x0  }
0x1f: {  	s9 =	smul.u32 $0xF7A, s1;
	s8 =	simm.s32 @!p0 $0x1BF5;
	p2 =	por !p2, p0  }
0x20: {  	[sflag:s8] =	ssyncset.s32 @!p0 $0xFFFFF086;
	s6 =	sadd.s32 @!p0 s3, s7;
	s7 =	simm.s32 @!p0 $0x108  }
0x21: {  	s3 =	sadd.s32 s3, s9;
	s6 =	sadd.s32 @!p0 $0x88, s6;
	s7 =	simm.s32 @p2 $0x1082  }
0x22: {  	[simem:s7], [sflag:s8] =	dma.local @!p0 [hbm:s6], $0xF7A  }
0x23: {  	s9 =	sor.u32 $0xD0000000, s2;
	s6 =	simm.s32 $0x108;
	_ =	swait.ge @!p0 [sflag:s8], $0x0  }
0x24: {  	s3 =	sadd.s32 $0x88, s3;
	s6 =	simm.s32 @!p1 $0x1082;
	[sflag:s4] =	ssyncset.s32 $0xFFFFF086  }
0x25: {  	[simem:s6], [sflag:s4] =	dma.local [hbm:s3], $0xF7A  }
0x26: {  	[smem:$0x3F9B] =	sst s1;
	(tag) =	ssettag s2;
	_ =	strace s9  }
0x27: {  	s1 =	sld [smem:$0x3FAB]  }
0x28: {  	s2 =	sld [smem:$0x3FAC]  }
0x29: {  	s4 =	sld [smem:$0x3FAE]  }
0x2a: {  	p0 =	seq.s32 s5, $0x0;
	s5 =	sld [smem:$0x3FAF]  }
0x2b: {  	s6 =	sld [smem:$0x3FB0]  }
0x2c: {  	s7 =	sld [smem:$0x3FB1]  }
0x2d: {  	s3 =	simm.s32 $0x108;
	s8 =	sld [smem:$0x3FB2]  }
0x2e: {  	s3 =	simm.s32 @!p0 $0x1082;
	s9 =	sld [smem:$0x3FB3]  }
0x2f: {  	lr =	sadd.s32 s0, s3;
	s0 =	sld [smem:$0x3FAA]  }
0x30: {  	s3 =	sld [smem:$0x3FAD]  }
0x31: {  	[smem:$0x3FB6] =	sst s10  }
0x32: {  	s10 =	sld [smem:$0x3FB4];
	_ =	sdelay $0x3  }
0x33: {  	p0 =	seq.s32 s10, $0x1;
	s10 =	sld [smem:$0x3FB6];
	_ =	sdelay $0x3  }
0x34: {  	[smem:$0x3FB6] =	sst s10  }
0x35: {  	s10 =	sld [smem:$0x3FB5];
	_ =	sdelay $0x3  }
0x36: {  	p1 =	seq.s32 s10, $0x1;
	s10 =	sld [smem:$0x3FB6];
	_ =	sdelay $0x3  }
0x37: {  	[smem:$0x3FB6] =	sst s10  }
0x38: {  	s10 =	sld [smem:$0x3FB7]  }
0x39: {  	_ = 	snop;
	(pc) =	sbr.ind lr, $3  }
0x3a: {  	_ = 	snop  }
0x3b: {  	_ = 	snop  }
0x3c: {  	p2 =	seq.s32 s10, $0x1;
	s10 =	sld [smem:$0x3FB6]  }
0x3d: {  	_ =	shalt  }
0x3e: {  	_ =	shalt  }
0x3f: {  	_ =	shalt  }
0x40: {  	_ =	shalt  }
0x41: {  	_ =	shalt  }
0x42: {  	_ =	shalt  }
0x43: {  	_ =	shalt  }
0x44: {  	_ =	shalt  }
0x45: {  	_ =	shalt  }
0x46: {  	_ =	shalt  }
0x47: {  	_ =	shalt  }
0x48: {  	_ =	shalt  }
0x49: {  	_ =	shalt  }
0x4a: {  	_ =	shalt  }
0x4b: {  	_ =	shalt  }
0x4c: {  	_ =	shalt  }
0x4d: {  	_ =	shalt  }
0x4e: {  	_ =	shalt  }
0x4f: {  	_ =	shalt  }
0x50: {  	_ =	shalt  }
0x51: {  	_ =	shalt  }
0x52: {  	_ =	shalt  }
0x53: {  	_ =	shalt  }
0x54: {  	_ =	shalt  }
0x55: {  	_ =	shalt  }
0x56: {  	_ =	shalt  }
0x57: {  	_ =	shalt  }
0x58: {  	_ =	shalt  }
0x59: {  	_ =	shalt  }
0x5a: {  	_ =	shalt  }
0x5b: {  	_ =	shalt  }
0x5c: {  	_ =	shalt  }
0x5d: {  	_ =	shalt  }
0x5e: {  	_ =	shalt  }
0x5f: {  	_ =	shalt  }
0x60: {  	_ =	shalt  }
0x61: {  	_ =	shalt  }
0x62: {  	_ =	shalt  }
0x63: {  	_ =	shalt  }
0x64: {  	_ =	shalt  }
0x65: {  	_ =	shalt  }
0x66: {  	_ =	shalt  }
0x67: {  	_ =	shalt  }
0x68: {  	_ =	shalt  }
0x69: {  	_ =	shalt  }
0x6a: {  	_ =	shalt  }
0x6b: {  	_ =	shalt  }
0x6c: {  	_ =	shalt  }
0x6d: {  	_ =	shalt  }
0x6e: {  	_ =	shalt  }
0x6f: {  	_ =	shalt  }
0x70: {  	_ =	shalt  }
0x71: {  	_ =	shalt  }
0x72: {  	_ =	shalt  }
0x73: {  	_ =	shalt  }
0x74: {  	_ =	shalt  }
0x75: {  	_ =	shalt  }
0x76: {  	_ =	shalt  }
0x77: {  	_ =	shalt  }
0x78: {  	_ =	shalt  }
0x79: {  	_ =	shalt  }
0x7a: {  	_ =	shalt  }
0x7b: {  	_ =	shalt  }
0x7c: {  	_ =	shalt  }
0x7d: {  	_ =	shalt  }
0x7e: {  	_ =	shalt  }
0x7f: {  	_ =	shalt  }
0x80: {  	_ =	shalt  }
0x81: {  	_ =	shalt  }
0x82: {  	_ =	shalt  }
0x83: {  	_ =	shalt  }
0x84: {  	_ =	shalt  }
0x85: {  	_ =	shalt  }
0x86: {  	_ =	shalt  }
0x87: {  	_ =	shalt  }
.Lfunc_end0:
.L_simem_size_0:
called_computation_lowered:
.L_overlay_start_0:
0x88: {  	s2 =	sld [smem:$0x3FD9]  }
0x89: {  	s3 =	sld [smem:$0x3FFE];
	_ =	sdelay $0x1  }
0x8a: {  	s1 =	srdreg.scid  }
0x8b: {  	s0 =	sand.u32 $0x1, s1  }
0x8c: {  	s16 =	sshll.u32 s0, $0xA;
	s2 =	sadd.s32 s3, s2  }
0x8d: {  	s2 =	sadd.s32 s2, s16  }
0x8e: {  	[smem:$0x3FC2] =	sst s2  }
0x8f: {  	_ = 	snop  }
0x90: {  	(tm) =	ssettm $0x1  }
0x91: {  	s17 =	sld [smem:$0x3FFB];
	_ =	sdelay $0x3  }
0x92: {  	_ =	strace s17  }
0x93: {  	s2 =	sld [smem:$0x3FFC];
	_ =	sdelay $0x3  }
0x94: {  	_ =	strace s2  }
0x95: {  	s2 =	sld [smem:$0x3FFD];
	_ =	sdelay $0x3  }
0x96: {  	_ =	strace s2  }
0x97: {  	_ =	strace $0x8FFFFFFF  }
0x98: {  	s18 =	sld [smem:$0x3FDB];
	_ =	sdelay $0x1  }
0x99: {  	s19 =	simm.s32 $_scs_section_size  }
0x9a: {  	s4 =	simm.s32 $_size__tile_overlayer_lowered;
	s5 =	simm.s32 $_tile_overlayer_lowered  }
0x9b: {  	s22 =	simm.s32 $0x1BFF;
	s21 =	sshll.u32 s5, $0x1;
	s2 =	sadd.s32 s19, s18  }
0x9c: {  	s6 =	simm.s32 $0x0;
	s20 =	sshll.u32 s4, $0x1;
	s4 =	sadd.s32 s21, s2  }
0x9d: {  	[timem:s6], [sflag:s22] =	dma.local [hbm:s4], s20  }
0x9e: {  	_ =	swait.ge [sflag:s22], s20  }
0x9f: {  	s3 =	ssub.s32 $0x0, s20;
	[sflag:s22] =	ssyncset.done $0x0  }
0xa0: {  	[sflag:s22] =	ssyncadd.s32 s3;
	_ =	sdelay $0x1  }
0xa1: {  	s23 =	simm.s32 $0x1B8B  }
0xa2: {  	_ =	swait.ge [sflag:s23], $0x1  }
0xa3: {  	[sflag:s23] =	ssyncset.done $0x0  }
0xa4: {  	s25 =	simm.s32 $0x1B8E;
	s24 =	sld [smem:$0x3FFE];
	[sflag:s23] =	ssyncadd.s32 $0xFFFFFFFF  }
0xa5: {  	s26 =	simm.s32 $execute0_lowered;
	[smem:$0x3FD2] =	sst s25  }
0xa6: {  	s4 =	sshll.u32 s26, $0x1;
	_ =	strace $0x80000046;
	[dreg:$0x1] =	wrdreg $0xFFFFFFFF  }
0xa7: {  	s28 =	simm.s32 $_size_execute0_lowered;
	s2 =	sadd.s32 s2, s4;
	[dreg:$0x0] =	wrdreg $0x0  }
0xa8: {  	s4 =	sshll.u32 s28, $0x1;
	[dreg:$0x2] =	wrdreg s2  }
0xa9: {  	[dreg:$0x3] =	wrdreg s4  }
0xaa: {  	[dreg:$0x4] =	wrdreg $0xC0  }
0xab: {  	_ =	task [dreg:s6], $0x5FFFF  }
0xac: {  	[dreg:$0x1] =	wrdreg $0xFFFFFFFF  }
0xad: {  	[dreg:$0x0] =	wrdreg $0x60  }
0xae: {  	[dreg:$0x2] =	wrdreg s24  }
0xaf: {  	[dreg:$0x3] =	wrdreg $0x9  }
0xb0: {  	_ =	task.clear_ibuf [dreg:s6], $0x4FFFF;
	_ =	strace $0x90000046  }
0xb1: {  	s29 =	simm.s32 $0x9;
	_ =	strace $0x80000048  }
0xb2: {  	_ =	swait.ge [sflag:s29], $0x1  }
0xb3: {  	[sflag:s29] =	ssyncadd.s32 $0xFFFFFFFF  }
0xb4: {  	_ =	strace $0x90000048  }
0xb5: {  	_ =	sfence  }
0xb6: {  	s30 =	sld [smem:$0x0];
	_ =	sdelay $0x2  }
0xb7: {  	s31 =	sshll.u32 s1, $0xD;
	s1 =	sshrl.u32 s1, $0x2  }
0xb8: {  	s3 =	sand.u32 $0x4000, s31;
	s1 =	sadd.s32 s1, s30  }
0xb9: {  	s0 =	sor.u32 s3, s0;
	s1 =	sshll.u32 s1, $0x11  }
0xba: {  	s0 =	sor.u32 s1, s0  }
0xbb: {  	s0 =	sadd.s32 $0x8F2B, s0  }
0xbc: {  	[sflag:s0] =	ssyncadd.remote.s32 $0x1  }
0xbd: {  	_ =	sfence.sel $0xFFFF  }
0xbe: {  	[dreg:$0x0] =	wrdreg $0xFFFFFFFF;
	(pc) =	sbr.abs _section_cstart, $3  }
0xbf: {  	[dreg:$0x1] =	wrdreg $0xFFFFFFFF  }
0xc0: {  	_ =	task.clear_ibuf [dreg:s6], $0x2FFFF;
	_ =	strace $0x9FFFFFFF  }
0xc1: {  	(tm) =	ssettm $0x7FFFFFFF  }
tec
execute0_lowered:
.L_overlay_start_1:
0x0: {  	(tag) =	ssettag $0x1  }
0x1: {  	s5 =	rddreg [dreg:$0x0]  }
0x2: {  	s0 =	rddreg [dreg:$0x1];
	s3 =	srdreg.scid  }
0x3: {  	s2 =	simm.s32 $0x0;
	s1 =	stileid.u32;
	s8 =	simm.s32 $0x1  }
0x4: {  	s9 =	simm.s32 $0x14000;
	s10 =	simm.s32 $0x0;
	s3 =	sand.u32 $0x1, s3  }
0x5: {  	[smem:$0x7FF] =	sst s2;
	s4 =	sshll.u32 s1, $0x1;
	s6 =	ssub.s32 $0x2, s3  }
0x6: {  	_ =	strace $0x80000047;
	s3 =	sor.u32 s4, s3;
	s7 =	sshrl.u32 s6, $0x1  }
0x7: {  	s4 =	sadd.s32 $0xC00, s5;
	s31 =	ssub.s32 $0x13A7, s3;
	s7 =	ssub.s32 s6, s7  }
0x8: {  	s5 =	sadd.s32 $0x30D4C00, s5;
	s6 =	sshrl.u32 s31, $0x5;
	s7 =	smax.u32 s7, $0x1  }
.LBB2_1:
0x9: {  	s11 =	simm.s32 $0x0  }
.LBB2_2:
0xa: {  	s12 =	sshll.u32 s11, $0x5  }
0xb: {  	s12 =	sor.u32 s3, s12  }
0xc: {  	s13 =	smul.u32 $0x14000, s12;
	_ =	sdelay $0x1  }
0xd: {  	s13 =	sshrl.u32 s13, $0x3  }
0xe: {  	s13 =	sadd.s32 s4, s13  }
0xf: {  	[tilespmem:s2], [sflag:$0x1] =	stream.linear.gather [hbm4b:s13+s2], $0x14000, $0x38;
	[tilespmem:$0x16800] =	vst v63  }
0x10: {  	_ =	swait.ge [sflag:s8], $0x14000  }
0x11: {  	[sflag:s8] =	ssyncset.done $0x0  }
0x12: {  	s14 =	simm.s32 $0x800;
	[sflag:s8] =	ssyncadd.s32 $0xFFFEC000  }
0x13: {  	v0 =	vld [tilespmem:s14+$0xFFFFF800];
	_ =	sdelay $0x3  }
0x14: {  	s13 =	simm.s32 $0x14100  }
0x15: {  	[tilespmem:s13+$0xFFFFFF00] =	vst v0  }
0x16: {  	v0 =	vld [tilespmem:s14+$0xFFFFF880];
	_ =	sdelay $0x4  }
0x17: {  	[tilespmem:s13+$0xFFFFFF10] =	vst v0  }
0x18: {  	v0 =	vld [tilespmem:s14+$0xFFFFF900];
	_ =	sdelay $0x4  }
0x19: {  	[tilespmem:s13+$0xFFFFFF20] =	vst v0  }
0x1a: {  	v0 =	vld [tilespmem:s14+$0xFFFFF980];
	_ =	sdelay $0x4  }
0x1b: {  	[tilespmem:s13+$0xFFFFFF30] =	vst v0  }
0x1c: {  	v0 =	vld [tilespmem:s14+$0xFFFFFA00];
	_ =	sdelay $0x4  }
0x1d: {  	[tilespmem:s13+$0xFFFFFF40] =	vst v0  }
0x1e: {  	v0 =	vld [tilespmem:s14+$0xFFFFFA80];
	_ =	sdelay $0x4  }
0x1f: {  	[tilespmem:s13+$0xFFFFFF50] =	vst v0  }
0x20: {  	v0 =	vld [tilespmem:s14+$0xFFFFFB00];
	_ =	sdelay $0x4  }
0x21: {  	[tilespmem:s13+$0xFFFFFF60] =	vst v0  }
0x22: {  	v0 =	vld [tilespmem:s14+$0xFFFFFB80];
	_ =	sdelay $0x4  }
0x23: {  	[tilespmem:s13+$0xFFFFFF70] =	vst v0  }
0x24: {  	v0 =	vld [tilespmem:s14+$0xFFFFFC00];
	_ =	sdelay $0x4  }
0x25: {  	[tilespmem:s13+$0xFFFFFF80] =	vst v0  }
0x26: {  	v0 =	vld [tilespmem:s14+$0xFFFFFC80];
	_ =	sdelay $0x4  }
0x27: {  	[tilespmem:s13+$0xFFFFFF90] =	vst v0  }
0x28: {  	v0 =	vld [tilespmem:s14+$0xFFFFFD00];
	_ =	sdelay $0x4  }
0x29: {  	[tilespmem:s13+$0xFFFFFFA0] =	vst v0  }
0x2a: {  	v0 =	vld [tilespmem:s14+$0xFFFFFD80];
	_ =	sdelay $0x4  }
0x2b: {  	[tilespmem:s13+$0xFFFFFFB0] =	vst v0  }
0x2c: {  	v0 =	vld [tilespmem:s14+$0xFFFFFE00];
	_ =	sdelay $0x4  }
0x2d: {  	[tilespmem:s13+$0xFFFFFFC0] =	vst v0  }
0x2e: {  	v0 =	vld [tilespmem:s14+$0xFFFFFE80];
	_ =	sdelay $0x4  }
0x2f: {  	[tilespmem:s13+$0xFFFFFFD0] =	vst v0  }
0x30: {  	v0 =	vld [tilespmem:s14+$0xFFFFFF00];
	_ =	sdelay $0x4  }
0x31: {  	[tilespmem:s13+$0xFFFFFFE0] =	vst v0  }
0x32: {  	v0 =	vld [tilespmem:s14+$0xFFFFFF80];
	_ =	sdelay $0x4  }
0x33: {  	[tilespmem:s13+$0xFFFFFFF0] =	vst v0  }
0x34: {  	v0 =	vld [tilespmem:s14+$0x0];
	_ =	sdelay $0x4  }
0x35: {  	[tilespmem:s13+$0x0] =	vst v0  }
0x36: {  	v0 =	vld [tilespmem:s14+$0x80];
	_ =	sdelay $0x4  }
0x37: {  	[tilespmem:s13+$0x10] =	vst v0  }
0x38: {  	v0 =	vld [tilespmem:s14+$0x100];
	_ =	sdelay $0x4  }
0x39: {  	[tilespmem:s13+$0x20] =	vst v0  }
0x3a: {  	v0 =	vld [tilespmem:s14+$0x180];
	_ =	sdelay $0x4  }
0x3b: {  	[tilespmem:s13+$0x30] =	vst v0  }
0x3c: {  	v0 =	vld [tilespmem:s14+$0x200];
	_ =	sdelay $0x4  }
0x3d: {  	[tilespmem:s13+$0x40] =	vst v0  }
0x3e: {  	v0 =	vld [tilespmem:s14+$0x280];
	_ =	sdelay $0x4  }
0x3f: {  	[tilespmem:s13+$0x50] =	vst v0  }
0x40: {  	v0 =	vld [tilespmem:s14+$0x300];
	_ =	sdelay $0x4  }
0x41: {  	[tilespmem:s13+$0x60] =	vst v0  }
0x42: {  	v0 =	vld [tilespmem:s14+$0x380];
	_ =	sdelay $0x4  }
0x43: {  	[tilespmem:s13+$0x70] =	vst v0  }
0x44: {  	v0 =	vld [tilespmem:s14+$0x400];
	_ =	sdelay $0x4  }
0x45: {  	[tilespmem:s13+$0x80] =	vst v0  }
0x46: {  	v0 =	vld [tilespmem:s14+$0x480];
	_ =	sdelay $0x4  }
0x47: {  	[tilespmem:s13+$0x90] =	vst v0  }
0x48: {  	v0 =	vld [tilespmem:s14+$0x500];
	_ =	sdelay $0x4  }
0x49: {  	[tilespmem:s13+$0xA0] =	vst v0  }
0x4a: {  	v0 =	vld [tilespmem:s14+$0x580];
	_ =	sdelay $0x4  }
0x4b: {  	[tilespmem:s13+$0xB0] =	vst v0  }
0x4c: {  	v0 =	vld [tilespmem:s14+$0x600];
	_ =	sdelay $0x4  }
0x4d: {  	[tilespmem:s13+$0xC0] =	vst v0  }
0x4e: {  	v0 =	vld [tilespmem:s14+$0x680];
	_ =	sdelay $0x4  }
0x4f: {  	[tilespmem:s13+$0xD0] =	vst v0  }
0x50: {  	v0 =	vld [tilespmem:s14+$0x700];
	_ =	sdelay $0x4  }
0x51: {  	[tilespmem:s13+$0xE0] =	vst v0  }
0x52: {  	v0 =	vld [tilespmem:s14+$0x780];
	_ =	sdelay $0x4  }
0x53: {  	s15 =	simm.s32 $0x1800;
	s14 =	simm.s32 $0x0;
	[tilespmem:s13+$0xF0] =	vst v0  }
.LBB2_3:
0x54: {  	v0 =	vld [tilespmem:s15+$0xFFFFF800];
	s14 =	sadd.s32 $0x4, s14  }
0x55: {  	p0 =	slt.u32 s14, $0x4C;
	_ =	sdelay $0x2  }
0x56: {  	s13 =	sadd.s32 $0x200, s13  }
0x57: {  	[tilespmem:s13+$0xFFFFFF00] =	vst v0  }
0x58: {  	v0 =	vld [tilespmem:s15+$0xFFFFF880];
	_ =	sdelay $0x4  }
0x59: {  	[tilespmem:s13+$0xFFFFFF10] =	vst v0  }
0x5a: {  	v0 =	vld [tilespmem:s15+$0xFFFFF900];
	_ =	sdelay $0x4  }
0x5b: {  	[tilespmem:s13+$0xFFFFFF20] =	vst v0  }
0x5c: {  	v0 =	vld [tilespmem:s15+$0xFFFFF980];
	_ =	sdelay $0x4  }
0x5d: {  	[tilespmem:s13+$0xFFFFFF30] =	vst v0  }
0x5e: {  	v0 =	vld [tilespmem:s15+$0xFFFFFA00];
	_ =	sdelay $0x4  }
0x5f: {  	[tilespmem:s13+$0xFFFFFF40] =	vst v0  }
0x60: {  	v0 =	vld [tilespmem:s15+$0xFFFFFA80];
	_ =	sdelay $0x4  }
0x61: {  	[tilespmem:s13+$0xFFFFFF50] =	vst v0  }
0x62: {  	v0 =	vld [tilespmem:s15+$0xFFFFFB00];
	_ =	sdelay $0x4  }
0x63: {  	[tilespmem:s13+$0xFFFFFF60] =	vst v0  }
0x64: {  	v0 =	vld [tilespmem:s15+$0xFFFFFB80];
	_ =	sdelay $0x4  }
0x65: {  	[tilespmem:s13+$0xFFFFFF70] =	vst v0  }
0x66: {  	v0 =	vld [tilespmem:s15+$0xFFFFFC00];
	_ =	sdelay $0x4  }
0x67: {  	[tilespmem:s13+$0xFFFFFF80] =	vst v0  }
0x68: {  	v0 =	vld [tilespmem:s15+$0xFFFFFC80];
	_ =	sdelay $0x4  }
0x69: {  	[tilespmem:s13+$0xFFFFFF90] =	vst v0  }
0x6a: {  	v0 =	vld [tilespmem:s15+$0xFFFFFD00];
	_ =	sdelay $0x4  }
0x6b: {  	[tilespmem:s13+$0xFFFFFFA0] =	vst v0  }
0x6c: {  	v0 =	vld [tilespmem:s15+$0xFFFFFD80];
	_ =	sdelay $0x4  }
0x6d: {  	[tilespmem:s13+$0xFFFFFFB0] =	vst v0  }
0x6e: {  	v0 =	vld [tilespmem:s15+$0xFFFFFE00];
	_ =	sdelay $0x4  }
0x6f: {  	[tilespmem:s13+$0xFFFFFFC0] =	vst v0  }
0x70: {  	v0 =	vld [tilespmem:s15+$0xFFFFFE80];
	_ =	sdelay $0x4  }
0x71: {  	[tilespmem:s13+$0xFFFFFFD0] =	vst v0  }
0x72: {  	v0 =	vld [tilespmem:s15+$0xFFFFFF00];
	_ =	sdelay $0x4  }
0x73: {  	[tilespmem:s13+$0xFFFFFFE0] =	vst v0  }
0x74: {  	v0 =	vld [tilespmem:s15+$0xFFFFFF80];
	_ =	sdelay $0x4  }
0x75: {  	[tilespmem:s13+$0xFFFFFFF0] =	vst v0  }
0x76: {  	v0 =	vld [tilespmem:s15+$0x0];
	_ =	sdelay $0x4  }
0x77: {  	[tilespmem:s13+$0x0] =	vst v0  }
0x78: {  	v0 =	vld [tilespmem:s15+$0x80];
	_ =	sdelay $0x4  }
0x79: {  	[tilespmem:s13+$0x10] =	vst v0  }
0x7a: {  	v0 =	vld [tilespmem:s15+$0x100];
	_ =	sdelay $0x4  }
0x7b: {  	[tilespmem:s13+$0x20] =	vst v0  }
0x7c: {  	v0 =	vld [tilespmem:s15+$0x180];
	_ =	sdelay $0x4  }
0x7d: {  	[tilespmem:s13+$0x30] =	vst v0  }
0x7e: {  	v0 =	vld [tilespmem:s15+$0x200];
	_ =	sdelay $0x4  }
0x7f: {  	[tilespmem:s13+$0x40] =	vst v0  }
0x80: {  	v0 =	vld [tilespmem:s15+$0x280];
	_ =	sdelay $0x4  }
0x81: {  	[tilespmem:s13+$0x50] =	vst v0  }
0x82: {  	v0 =	vld [tilespmem:s15+$0x300];
	_ =	sdelay $0x4  }
0x83: {  	[tilespmem:s13+$0x60] =	vst v0  }
0x84: {  	v0 =	vld [tilespmem:s15+$0x380];
	_ =	sdelay $0x4  }
0x85: {  	[tilespmem:s13+$0x70] =	vst v0  }
0x86: {  	v0 =	vld [tilespmem:s15+$0x400];
	_ =	sdelay $0x4  }
0x87: {  	[tilespmem:s13+$0x80] =	vst v0  }
0x88: {  	v0 =	vld [tilespmem:s15+$0x480];
	_ =	sdelay $0x4  }
0x89: {  	[tilespmem:s13+$0x90] =	vst v0  }
0x8a: {  	v0 =	vld [tilespmem:s15+$0x500];
	_ =	sdelay $0x4  }
0x8b: {  	[tilespmem:s13+$0xA0] =	vst v0  }
0x8c: {  	v0 =	vld [tilespmem:s15+$0x580];
	_ =	sdelay $0x4  }
0x8d: {  	[tilespmem:s13+$0xB0] =	vst v0  }
0x8e: {  	v0 =	vld [tilespmem:s15+$0x600];
	_ =	sdelay $0x4  }
0x8f: {  	[tilespmem:s13+$0xC0] =	vst v0  }
0x90: {  	v0 =	vld [tilespmem:s15+$0x680];
	_ =	sdelay $0x4  }
0x91: {  	[tilespmem:s13+$0xD0] =	vst v0  }
0x92: {  	v0 =	vld [tilespmem:s15+$0x700];
	_ =	sdelay $0x4  }
0x93: {  	[tilespmem:s13+$0xE0] =	vst v0  }
0x94: {  	v0 =	vld [tilespmem:s15+$0x780]  }
.Ltmp0:
0x95: {  	(pc) =	sbr.rel @p0 .LBB2_3-.Ltmp0, $2  }
0x96: {  	_ =	sdelay $0x2  }
0x97: {  	s15 =	sadd.s32 $0x1000, s15;
	[tilespmem:s13+$0xF0] =	vst v0  }
0x98: {  	s12 =	smul.u32 $0x2800, s12  }
0x99: {  	s11 =	sadd.s32 $0x1, s11  }
0x9a: {  	p0 =	sne.s32 s11, s6;
	s12 =	sshrl.u32 s12, $0x3  }
.Ltmp1:
0x9b: {  	s12 =	sadd.s32 s5, s12;
	(pc) =	sbr.rel @p0 .LBB2_2-.Ltmp1, $4  }
0x9c: {  	[hbm4b:s12+s2] =	stream.linear.scatter [tilespmem:s9], [sflag:$0x1], $0x2800, $0x38;
	[tilespmem:$0x16800] =	vst v63  }
0x9d: {  	_ =	swait.ge [sflag:s8], $0x2800  }
0x9e: {  	[sflag:s8] =	ssyncset.done $0x0  }
0x9f: {  	[sflag:s8] =	ssyncadd.s32 $0xFFFFD800  }
0xa0: {  	s10 =	sadd.s32 $0x1, s10  }
0xa1: {  	p0 =	sne.s32 s10, s7  }
.Ltmp2:
0xa2: {  	_ = 	snop;
	(pc) =	sbr.rel @p0 .LBB2_1-.Ltmp2, $1  }
0xa3: {  	_ =	sdelay $0x3  }
0xa4: {  	_ =	sfence.sel $0x180000  }
0xa5: {  	[bflag:$0x0] =	sbarrier.arrive $0xFFFF  }
0xa6: {  	p0 =	sne.s32 s1, $0x0;
	_ =	strace $0x90000047  }
0xa7: {  	s0 =	sadd.s32 @!p0 $0x100000, s0;
	[bflag:$0x2] =	sbarrier.arrive $0xFFFF  }
0xa8: {  	[sflag:s0] =	ssyncadd.tile.s32 @!p0 $0x1;
	_ =	shalt  }
.Lfunc_end2:
_tile_overlayer_lowered:
.L_overlay_start_2:
0xa9: {  	(tag) =	ssettag $0x2  }
0xaa: {  	s0 =	rddreg [dreg:$0x0];
	s2 =	stileid.u32  }
0xab: {  	s1 =	rddreg [dreg:$0x1];
	p0 =	sne.s32 s2, $0x0  }
0xac: {  	s3 =	rddreg [dreg:$0x2];
	[bflag:$0x3] =	sbarrier.arrive $0xFFFF;
	s2 =	simm.s32 @!p0 $0x1C01  }
0xad: {  	[timem:s3], [sflag:s2] =	dma.local @!p0 [hbm:s0], s1  }
0xae: {  	s0 =	simm.s32 @!p0 $0x1  }
0xaf: {  	_ =	swait.ge @!p0 [sflag:s0], s1  }
0xb0: {  	s1 =	ssub.s32 @!p0 $0x0, s1;
	[sflag:s0] =	ssyncset.done @!p0 $0x0  }
0xb1: {  	[sflag:s0] =	ssyncadd.s32 @!p0 s1  }
0xb2: {  	[bflag:$0x3] =	sbarrier.arrive $0xFFFF  }
0xb3: {  	_ =	shalt  }

</sc_bundles>
